<compile_context>
chip_gen: v7x
topology: tpu7x:2x2x1
jax: 0.10.2.dev20260603
libtpu: 0.0.44.dev20260713+nightly
codegen_flags: <defaults>
</compile_context>

<pallas_src>
import functools

import jax
import jax.numpy as jnp
import numpy as np
from jax import lax
from jax.experimental import pallas as pl
from jax.experimental.pallas import tpu as pltpu
from jax.experimental.pallas import tpu_sc as plsc

_NB = 15
_BC = 65536
_BC8 = _BC // 8
_NW = 32


def _tc_pack_body(n, x_ref, o_ref):
    i = pl.program_id(0)
    x = x_ref[...]
    m2 = jnp.max(x, axis=0, keepdims=True).reshape(_BC // 128, 128)
    x02 = x[0:1, :].reshape(_BC // 128, 128)
    conf = 1.0 / (1.0 + jnp.exp(-m2))
    packed = jnp.where(x02 > 0.0, conf, -conf)
    col = i * _BC \
        + jax.lax.broadcasted_iota(jnp.int32, (_BC // 128, 128), 0) * 128 \
        + jax.lax.broadcasted_iota(jnp.int32, (_BC // 128, 128), 1)
    o_ref[...] = jnp.where(col < n, packed, 0.0)


def _make_sc_hist(nflat):
    per_w = nflat // _NW
    groups = per_w // 16
    unroll = 32
    mesh = plsc.VectorSubcoreMesh(core_axis_name="c", subcore_axis_name="s")

    @functools.partial(
        pl.kernel,
        mesh=mesh,
        out_type=jax.ShapeDtypeStruct((_NW, 256), jnp.float32),
        scratch_types=[
            pltpu.VMEM((per_w,), jnp.float32),
            pltpu.VMEM((256,), jnp.float32),
        ],
        compiler_params=pltpu.CompilerParams(needs_layout_passes=False),
    )
    def sc_hist(p_hbm, out_hbm, buf, hist):
        w = lax.axis_index("s") * 2 + lax.axis_index("c")
        z16 = jnp.zeros((16,), jnp.float32)
        for k in range(256 // 16):
            hist[pl.ds(k * 16, 16)] = z16
        off = pl.multiple_of(w * per_w, 8)
        pltpu.sync_copy(p_hbm.at[pl.ds(off, per_w)], buf)
        lanes = lax.iota(jnp.int32, 16)

        @plsc.parallel_loop(0, groups, unroll=unroll)
        def body(j):
            p = buf[pl.ds(j * 16, 16)]
            conf = jnp.abs(p)
            v = conf - jnp.where(p > 0.0, 1.0, 0.0)
            bi = ((conf - 0.5) * 30.0).astype(jnp.int32)
            bi = jnp.minimum(jnp.maximum(bi, 0), _NB - 1)
            valid = conf > 0.5
            plsc.addupdate_scatter(hist, [bi * 16 + lanes], v, mask=valid)

        pltpu.sync_copy(hist, out_hbm.at[w])

    return sc_hist


def _tc_fin_body(n, p_ref, o_ref):
    p = p_ref[...]
    s = jnp.sum(p.reshape(_NW, 16, 16), axis=(0, 2))
    ece = jnp.sum(jnp.abs(s)) * (1.0 / n)
    o_ref[...] = ece.reshape(1, 1)


def kernel(logits, labels):
    del labels
    n, k = logits.shape
    lt = logits.T
    ng = (n + _BC - 1) // _BC
    packed = pl.pallas_call(
        functools.partial(_tc_pack_body, n),
        grid=(ng,),
        in_specs=[pl.BlockSpec((k, _BC), lambda i: (0, i))],
        out_specs=pl.BlockSpec((_BC // 128, 128), lambda i: (i, 0)),
        out_shape=jax.ShapeDtypeStruct((ng * _BC // 128, 128), jnp.float32),
    )(lt)
    flat = packed.reshape(-1)
    part = _make_sc_hist(flat.shape[0])(flat)
    out = pl.pallas_call(
        functools.partial(_tc_fin_body, n),
        out_shape=jax.ShapeDtypeStruct((1, 1), jnp.float32),
    )(part)
    return out.reshape(1)

# --- scband reference (transcript-rebuilt; emitter-appended) ---
"""Pipeline reference for scband-eceloss-65283502899735 (READ-ONLY COPY).

The authoritative reference and input builder live on the scoring server;
editing this copy changes nothing except your own understanding.
"""

import jax, jax.numpy as jnp
import numpy as np

N_BINS = 15


def setup_inputs(seed: int = 0) -> dict:
    key = jax.random.key(seed)
    k1, k2 = jax.random.split(key)
    logits = jax.random.normal(k1, (1000000, 10), dtype=jnp.float32)
    labels = jax.random.randint(k2, (1000000,), 0, 10)
    return {"logits": logits, "labels": labels}


def reference(logits, labels):
    # labels are unused by the original forward (kept for signature parity)
    softmaxes = jax.nn.sigmoid(logits)
    confidences = jnp.max(softmaxes, axis=1)
    accuracies = (logits[:, 0] > 0).astype(jnp.float32)

    bin_boundaries = jnp.linspace(0.5, 1.0, N_BINS + 1)
    bin_lowers = bin_boundaries[:-1]
    bin_uppers = bin_boundaries[1:]

    # in_bin[b, i] = (conf_i > lower_b) & (conf_i <= upper_b)
    in_bin = (confidences[None, :] > bin_lowers[:, None]) & (
        confidences[None, :] <= bin_uppers[:, None]
    )
    in_bin_f = in_bin.astype(jnp.float32)

    counts = in_bin_f.sum(axis=1)
    n = confidences.shape[0]
    prop_in_bin = counts / n

    safe_counts = jnp.maximum(counts, 1.0)
    accuracy_in_bin = (accuracies[None, :] * in_bin_f).sum(axis=1) / safe_counts
    avg_confidence_in_bin = (confidences[None, :] * in_bin_f).sum(axis=1) / safe_counts

    gaps = jnp.abs(avg_confidence_in_bin - accuracy_in_bin) * prop_in_bin
    gaps = jnp.where(counts > 0, gaps, 0.0)

    ece = jnp.sum(gaps)
    return jnp.reshape(ece, (1,))

if __name__ == "__main__":
    import jax
    _d = setup_inputs()
    print(jax.jit(kernel)(*tuple(_d.values())))

</pallas_src>

<mosaic_0001>
#map = affine_map<(d0, d1) -> (0)>
#map1 = affine_map<(d0, d1) -> (0, 0)>
module attributes {stable_mosaic.version = 14 : i64} {
  func.func @sc_hist(%arg0: i32, %arg1: i32, %arg2: memref<1048576xf32, #tpu.memory_space<hbm>>, %arg3: memref<32x256xf32, #tpu.memory_space<hbm>>, %arg4: memref<32768xf32, #tpu.memory_space<vmem>>, %arg5: memref<256xf32, #tpu.memory_space<vmem>>) attributes {dimension_semantics = [#tpu.dimension_semantics<core_parallel>, #tpu.dimension_semantics<subcore_parallel>], iteration_bounds = array<i64: 2, 16>, scalar_prefetch = 0 : i64, scratch_operands = 2 : i64, tpu.core_type = #tpu.core_type<sc_vector_subcore>, window_params = [{transform_indices = #map}, {transform_indices = #map1}]} {
    %mul3A = arith.constant 2 : i32
    %mul3A_0 = arith.muli %arg1, %mul3A : i32
    %add3A = arith.addi %mul3A_0, %arg0 : i32
    %broadcast_in_dim3A = arith.constant 0.000000e+00 : f32
    %broadcast_in_dim3A_1 = vector.broadcast %broadcast_in_dim3A : f32 to vector<16xf32>
    %swap3A = arith.constant 0 : index
    %swap3A_2 = tpu.vector_load %arg5[%swap3A] {strides = array<i32>} : memref<256xf32, #tpu.memory_space<vmem>>, vector<16xf32>,
    tpu.vector_store %arg5[%swap3A], %broadcast_in_dim3A_1 {strides = array<i32>} : memref<256xf32, #tpu.memory_space<vmem>>, vector<16xf32>,
    %swap3A_3 = arith.constant 16 : index
    %swap3A_4 = tpu.vector_load %arg5[%swap3A_3] {strides = array<i32>} : memref<256xf32, #tpu.memory_space<vmem>>, vector<16xf32>,
    tpu.vector_store %arg5[%swap3A_3], %broadcast_in_dim3A_1 {strides = array<i32>} : memref<256xf32, #tpu.memory_space<vmem>>, vector<16xf32>,
    %swap3A_5 = arith.constant 32 : index
    %swap3A_6 = tpu.vector_load %arg5[%swap3A_5] {strides = array<i32>} : memref<256xf32, #tpu.memory_space<vmem>>, vector<16xf32>,
    tpu.vector_store %arg5[%swap3A_5], %broadcast_in_dim3A_1 {strides = array<i32>} : memref<256xf32, #tpu.memory_space<vmem>>, vector<16xf32>,
    %swap3A_7 = arith.constant 48 : index
    %swap3A_8 = tpu.vector_load %arg5[%swap3A_7] {strides = array<i32>} : memref<256xf32, #tpu.memory_space<vmem>>, vector<16xf32>,
    tpu.vector_store %arg5[%swap3A_7], %broadcast_in_dim3A_1 {strides = array<i32>} : memref<256xf32, #tpu.memory_space<vmem>>, vector<16xf32>,
    %swap3A_9 = arith.constant 64 : index
    %swap3A_10 = tpu.vector_load %arg5[%swap3A_9] {strides = array<i32>} : memref<256xf32, #tpu.memory_space<vmem>>, vector<16xf32>,
    tpu.vector_store %arg5[%swap3A_9], %broadcast_in_dim3A_1 {strides = array<i32>} : memref<256xf32, #tpu.memory_space<vmem>>, vector<16xf32>,
    %swap3A_11 = arith.constant 80 : index
    %swap3A_12 = tpu.vector_load %arg5[%swap3A_11] {strides = array<i32>} : memref<256xf32, #tpu.memory_space<vmem>>, vector<16xf32>,
    tpu.vector_store %arg5[%swap3A_11], %broadcast_in_dim3A_1 {strides = array<i32>} : memref<256xf32, #tpu.memory_space<vmem>>, vector<16xf32>,
    %swap3A_13 = arith.constant 96 : index
    %swap3A_14 = tpu.vector_load %arg5[%swap3A_13] {strides = array<i32>} : memref<256xf32, #tpu.memory_space<vmem>>, vector<16xf32>,
    tpu.vector_store %arg5[%swap3A_13], %broadcast_in_dim3A_1 {strides = array<i32>} : memref<256xf32, #tpu.memory_space<vmem>>, vector<16xf32>,
    %swap3A_15 = arith.constant 112 : index
    %swap3A_16 = tpu.vector_load %arg5[%swap3A_15] {strides = array<i32>} : memref<256xf32, #tpu.memory_space<vmem>>, vector<16xf32>,
    tpu.vector_store %arg5[%swap3A_15], %broadcast_in_dim3A_1 {strides = array<i32>} : memref<256xf32, #tpu.memory_space<vmem>>, vector<16xf32>,
    %swap3A_17 = arith.constant 128 : index
    %swap3A_18 = tpu.vector_load %arg5[%swap3A_17] {strides = array<i32>} : memref<256xf32, #tpu.memory_space<vmem>>, vector<16xf32>,
    tpu.vector_store %arg5[%swap3A_17], %broadcast_in_dim3A_1 {strides = array<i32>} : memref<256xf32, #tpu.memory_space<vmem>>, vector<16xf32>,
    %swap3A_19 = arith.constant 144 : index
    %swap3A_20 = tpu.vector_load %arg5[%swap3A_19] {strides = array<i32>} : memref<256xf32, #tpu.memory_space<vmem>>, vector<16xf32>,
    tpu.vector_store %arg5[%swap3A_19], %broadcast_in_dim3A_1 {strides = array<i32>} : memref<256xf32, #tpu.memory_space<vmem>>, vector<16xf32>,
    %swap3A_21 = arith.constant 160 : index
    %swap3A_22 = tpu.vector_load %arg5[%swap3A_21] {strides = array<i32>} : memref<256xf32, #tpu.memory_space<vmem>>, vector<16xf32>,
    tpu.vector_store %arg5[%swap3A_21], %broadcast_in_dim3A_1 {strides = array<i32>} : memref<256xf32, #tpu.memory_space<vmem>>, vector<16xf32>,
    %swap3A_23 = arith.constant 176 : index
    %swap3A_24 = tpu.vector_load %arg5[%swap3A_23] {strides = array<i32>} : memref<256xf32, #tpu.memory_space<vmem>>, vector<16xf32>,
    tpu.vector_store %arg5[%swap3A_23], %broadcast_in_dim3A_1 {strides = array<i32>} : memref<256xf32, #tpu.memory_space<vmem>>, vector<16xf32>,
    %swap3A_25 = arith.constant 192 : index
    %swap3A_26 = tpu.vector_load %arg5[%swap3A_25] {strides = array<i32>} : memref<256xf32, #tpu.memory_space<vmem>>, vector<16xf32>,
    tpu.vector_store %arg5[%swap3A_25], %broadcast_in_dim3A_1 {strides = array<i32>} : memref<256xf32, #tpu.memory_space<vmem>>, vector<16xf32>,
    %swap3A_27 = arith.constant 208 : index
    %swap3A_28 = tpu.vector_load %arg5[%swap3A_27] {strides = array<i32>} : memref<256xf32, #tpu.memory_space<vmem>>, vector<16xf32>,
    tpu.vector_store %arg5[%swap3A_27], %broadcast_in_dim3A_1 {strides = array<i32>} : memref<256xf32, #tpu.memory_space<vmem>>, vector<16xf32>,
    %swap3A_29 = arith.constant 224 : index
    %swap3A_30 = tpu.vector_load %arg5[%swap3A_29] {strides = array<i32>} : memref<256xf32, #tpu.memory_space<vmem>>, vector<16xf32>,
    tpu.vector_store %arg5[%swap3A_29], %broadcast_in_dim3A_1 {strides = array<i32>} : memref<256xf32, #tpu.memory_space<vmem>>, vector<16xf32>,
    %swap3A_31 = arith.constant 240 : index
    %swap3A_32 = tpu.vector_load %arg5[%swap3A_31] {strides = array<i32>} : memref<256xf32, #tpu.memory_space<vmem>>, vector<16xf32>,
    tpu.vector_store %arg5[%swap3A_31], %broadcast_in_dim3A_1 {strides = array<i32>} : memref<256xf32, #tpu.memory_space<vmem>>, vector<16xf32>,
    %mul3A_33 = arith.constant 32768 : i32
    %mul3A_34 = arith.muli %add3A, %mul3A_33 : i32
    %multiple_of3A = tpu.assume_multiple %mul3A_34, 8 : i32
    "tpu.region"() ({
      %run_scoped3A = tpu.sem_alloc : memref<!tpu.dma_semaphore, #tpu.memory_space<semaphore_mem>>
      %dma_start3A = tpu.memref_slice %arg2[%multiple_of3A] : memref<1048576xf32, #tpu.memory_space<hbm>> -> memref<32768xf32, #tpu.memory_space<hbm>>
      %dma_start3A_37 = tpu.memref_slice %arg2[%multiple_of3A] : memref<1048576xf32, #tpu.memory_space<hbm>> -> memref<32768xf32, #tpu.memory_space<hbm>>
      tpu.enqueue_dma source(%dma_start3A_37 : memref<32768xf32, #tpu.memory_space<hbm>>) target(%arg4 : memref<32768xf32, #tpu.memory_space<vmem>>) target_semaphore(%run_scoped3A : memref<!tpu.dma_semaphore, #tpu.memory_space<semaphore_mem>>)
      %dma_wait3A = tpu.memref_slice %arg2[%multiple_of3A] : memref<1048576xf32, #tpu.memory_space<hbm>> -> memref<32768xf32, #tpu.memory_space<hbm>>
      %dma_wait3A_38 = tpu.memref_slice %arg2[%multiple_of3A] : memref<1048576xf32, #tpu.memory_space<hbm>> -> memref<32768xf32, #tpu.memory_space<hbm>>
      tpu.wait_dma2 semaphore(%run_scoped3A : memref<!tpu.dma_semaphore, #tpu.memory_space<semaphore_mem>>) src(%dma_wait3A_38 : memref<32768xf32, #tpu.memory_space<hbm>>) dst(%arg4 : memref<32768xf32, #tpu.memory_space<vmem>>)
      tpu.yield
    }) : () -> ()
    %iota3A = tpu.iota {dimensions = array<i32: 0>} : vector<16xi32>
    %parallel_loop3A = arith.constant 0 : i32
    %parallel_loop3A_35 = arith.constant 2048 : i32
    %parallel_loop3A_36 = arith.constant 1 : i32
    scf.for %parallel_loop3A_37 = %parallel_loop3A to %parallel_loop3A_35 step %parallel_loop3A_36  : i32 {
      %parallel_loop3A_38 = arith.constant 16 : i32
      %parallel_loop3A_39 = arith.muli %parallel_loop3A_37, %parallel_loop3A_38 : i32
      %parallel_loop3A_40 = arith.index_cast %parallel_loop3A_39 : i32 to index
      %parallel_loop3A_41 = tpu.vector_load %arg4[%parallel_loop3A_40] {strides = array<i32>} : memref<32768xf32, #tpu.memory_space<vmem>>, vector<16xf32>,
      %parallel_loop3A_42 = math.absf %parallel_loop3A_41 : vector<16xf32>
      %parallel_loop3A_43 = arith.constant 0.000000e+00 : f32
      %parallel_loop3A_44 = vector.broadcast %parallel_loop3A_43 : f32 to vector<16xf32>
      %parallel_loop3A_45 = arith.cmpf ogt, %parallel_loop3A_41, %parallel_loop3A_44 : vector<16xf32>
      %parallel_loop3A_46 = arith.constant 1.000000e+00 : f32
      %parallel_loop3A_47 = arith.constant 0.000000e+00 : f32
      %parallel_loop3A_48 = vector.broadcast %parallel_loop3A_46 : f32 to vector<16xf32>
      %parallel_loop3A_49 = vector.broadcast %parallel_loop3A_47 : f32 to vector<16xf32>
      %parallel_loop3A_50 = arith.select %parallel_loop3A_45, %parallel_loop3A_48, %parallel_loop3A_49 : vector<16xi1>, vector<16xf32>
      %parallel_loop3A_51 = arith.subf %parallel_loop3A_42, %parallel_loop3A_50 : vector<16xf32>
      %parallel_loop3A_52 = arith.constant 5.000000e-01 : f32
      %parallel_loop3A_53 = vector.broadcast %parallel_loop3A_52 : f32 to vector<16xf32>
      %parallel_loop3A_54 = arith.subf %parallel_loop3A_42, %parallel_loop3A_53 : vector<16xf32>
      %parallel_loop3A_55 = arith.constant 3.000000e+01 : f32
      %parallel_loop3A_56 = vector.broadcast %parallel_loop3A_55 : f32 to vector<16xf32>
      %parallel_loop3A_57 = arith.mulf %parallel_loop3A_54, %parallel_loop3A_56 : vector<16xf32>
      %parallel_loop3A_58 = arith.fptosi %parallel_loop3A_57 : vector<16xf32> to vector<16xi32>
      %parallel_loop3A_59 = arith.constant 0 : i32
      %parallel_loop3A_60 = vector.broadcast %parallel_loop3A_59 : i32 to vector<16xi32>
      %parallel_loop3A_61 = arith.maxsi %parallel_loop3A_58, %parallel_loop3A_60 : vector<16xi32>
      %parallel_loop3A_62 = arith.constant 14 : i32
      %parallel_loop3A_63 = vector.broadcast %parallel_loop3A_62 : i32 to vector<16xi32>
      %parallel_loop3A_64 = arith.minsi %parallel_loop3A_61, %parallel_loop3A_63 : vector<16xi32>
      %parallel_loop3A_65 = arith.constant 5.000000e-01 : f32
      %parallel_loop3A_66 = vector.broadcast %parallel_loop3A_65 : f32 to vector<16xf32>
      %parallel_loop3A_67 = arith.cmpf ogt, %parallel_loop3A_42, %parallel_loop3A_66 : vector<16xf32>
      %parallel_loop3A_68 = arith.constant 16 : i32
      %parallel_loop3A_69 = vector.broadcast %parallel_loop3A_68 : i32 to vector<16xi32>
      %parallel_loop3A_70 = arith.muli %parallel_loop3A_64, %parallel_loop3A_69 : vector<16xi32>
      %parallel_loop3A_71 = arith.addi %parallel_loop3A_70, %iota3A : vector<16xi32>
      tpu.vector_store_idx %arg5[%parallel_loop3A_71], %parallel_loop3A_51 masked %parallel_loop3A_67 {add = true} : memref<256xf32, #tpu.memory_space<vmem>>[vector<16xi32>], vector<16xf32>, vector<16xi1>
    } {sc.loop_unroll_factor = 32 : i64, sc.parallel_access}
    "tpu.region"() ({
      %run_scoped3A = tpu.sem_alloc : memref<!tpu.dma_semaphore, #tpu.memory_space<semaphore_mem>>
      %dma_start3A = arith.constant 0 : i32
      %dma_start3A_37 = tpu.memref_slice %arg3[%add3A, %dma_start3A] : memref<32x256xf32, #tpu.memory_space<hbm>> -> memref<1x256xf32, #tpu.memory_space<hbm>>
      %dma_start3A_38 = tpu.memref_squeeze %dma_start3A_37 : memref<1x256xf32, #tpu.memory_space<hbm>> -> memref<256xf32, #tpu.memory_space<hbm>>
      %dma_start3A_39 = arith.constant 0 : i32
      %dma_start3A_40 = tpu.memref_slice %arg3[%add3A, %dma_start3A_39] : memref<32x256xf32, #tpu.memory_space<hbm>> -> memref<1x256xf32, #tpu.memory_space<hbm>>
      %dma_start3A_41 = tpu.memref_squeeze %dma_start3A_40 : memref<1x256xf32, #tpu.memory_space<hbm>> -> memref<256xf32, #tpu.memory_space<hbm>>
      tpu.enqueue_dma source(%arg5 : memref<256xf32, #tpu.memory_space<vmem>>) target(%dma_start3A_41 : memref<256xf32, #tpu.memory_space<hbm>>) target_semaphore(%run_scoped3A : memref<!tpu.dma_semaphore, #tpu.memory_space<semaphore_mem>>)
      %dma_wait3A = arith.constant 0 : i32
      %dma_wait3A_42 = tpu.memref_slice %arg3[%add3A, %dma_wait3A] : memref<32x256xf32, #tpu.memory_space<hbm>> -> memref<1x256xf32, #tpu.memory_space<hbm>>
      %dma_wait3A_43 = tpu.memref_squeeze %dma_wait3A_42 : memref<1x256xf32, #tpu.memory_space<hbm>> -> memref<256xf32, #tpu.memory_space<hbm>>
      %dma_wait3A_44 = arith.constant 0 : i32
      %dma_wait3A_45 = tpu.memref_slice %arg3[%add3A, %dma_wait3A_44] : memref<32x256xf32, #tpu.memory_space<hbm>> -> memref<1x256xf32, #tpu.memory_space<hbm>>
      %dma_wait3A_46 = tpu.memref_squeeze %dma_wait3A_45 : memref<1x256xf32, #tpu.memory_space<hbm>> -> memref<256xf32, #tpu.memory_space<hbm>>
      tpu.wait_dma2 semaphore(%run_scoped3A : memref<!tpu.dma_semaphore, #tpu.memory_space<semaphore_mem>>) src(%arg5 : memref<256xf32, #tpu.memory_space<vmem>>) dst(%dma_wait3A_46 : memref<256xf32, #tpu.memory_space<hbm>>)
      tpu.yield
    }) : () -> ()
    return
  }
}

module attributes {stable_mosaic.version = 14 : i64} {
  func.func @_tc_fin_body(%arg0: memref<32x256xf32, #tpu.memory_space<vmem>>, %arg1: memref<1x1xf32, #tpu.memory_space<vmem>>) attributes {dimension_semantics = [], scalar_prefetch = 0 : i64, scratch_operands = 0 : i64, tpu.core_type = #tpu.core_type<tc>} {
    %get3A = arith.constant 0 : index
    %get3A_0 = arith.constant 0 : index
    %get3A_1 = vector.load %arg0[%get3A, %get3A_0] : memref<32x256xf32, #tpu.memory_space<vmem>>, vector<32x256xf32>
    %reshape3A = vector.shape_cast %get3A_1 : vector<32x256xf32> to vector<32x16x16xf32>
    %reduce_sum3A = arith.constant dense<0.000000e+00> : vector<16xf32>
    %reduce_sum3A_2 = vector.multi_reduction <add>, %reshape3A, %reduce_sum3A [0, 2] : vector<32x16x16xf32> to vector<16xf32>
    %abs3A = math.absf %reduce_sum3A_2 : vector<16xf32>
    %reduce_sum3A_3 = vector.shape_cast %abs3A : vector<16xf32> to vector<1x16xf32>
    %reduce_sum3A_4 = arith.constant dense<0.000000e+00> : vector<1xf32>
    %reduce_sum3A_5 = vector.multi_reduction <add>, %reduce_sum3A_3, %reduce_sum3A_4 [1] : vector<1x16xf32> to vector<1xf32>
    %reduce_sum3A_6 = vector.shape_cast %reduce_sum3A_5 : vector<1xf32> to vector<1x1xf32>
    %reduce_sum3A_7 = vector.extract %reduce_sum3A_6[0, 0] : f32 from vector<1x1xf32>
    %mul3A = arith.constant 9.99999997E-7 : f32
    %mul3A_8 = arith.mulf %reduce_sum3A_7, %mul3A : f32
    %reshape3A_9 = vector.broadcast %mul3A_8 : f32 to vector<1x1xf32>
    %swap3A = arith.constant 0 : index
    %swap3A_10 = arith.constant 0 : index
    %swap3A_11 = vector.load %arg1[%swap3A, %swap3A_10] : memref<1x1xf32, #tpu.memory_space<vmem>>, vector<1x1xf32>
    tpu.vector_store %arg1[%swap3A, %swap3A_10], %reshape3A_9 {strides = array<i32>} : memref<1x1xf32, #tpu.memory_space<vmem>>, vector<1x1xf32>,
    return
  }
}

module attributes {stable_mosaic.version = 14 : i64} {
  func.func @_tc_pack_body(%arg0: i32, %arg1: memref<10x65536xf32, #tpu.memory_space<vmem>>, %arg2: memref<512x128xf32, #tpu.memory_space<vmem>>) attributes {dimension_semantics = [#tpu.dimension_semantics<arbitrary>], iteration_bounds = array<i64: 16>, scalar_prefetch = 0 : i64, scratch_operands = 0 : i64, tpu.core_type = #tpu.core_type<tc>, window_params = [{transform_indices = @transform_0, window_bounds = array<i64: 10, 65536>}, {transform_indices = @transform_1, window_bounds = array<i64: 512, 128>}]} {
    %get3A = arith.constant 0 : index
    %get3A_0 = arith.constant 0 : index
    %get3A_1 = vector.load %arg1[%get3A, %get3A_0] : memref<10x65536xf32, #tpu.memory_space<vmem>>, vector<10x65536xf32>
    %reduce_max3A = arith.constant dense<0xFF800000> : vector<65536xf32>
    %reduce_max3A_2 = vector.multi_reduction <maximumf>, %get3A_1, %reduce_max3A [0] : vector<10x65536xf32> to vector<65536xf32>
    %broadcast_in_dim3A = vector.shape_cast %reduce_max3A_2 : vector<65536xf32> to vector<1x65536xf32>
    %reshape3A = vector.shape_cast %broadcast_in_dim3A : vector<1x65536xf32> to vector<512x128xf32>
    %slice3A = vector.extract_strided_slice %get3A_1 {offsets = [0, 0], sizes = [1, 65536], strides = [1, 1]} : vector<10x65536xf32> to vector<1x65536xf32>
    %reshape3A_3 = vector.shape_cast %slice3A : vector<1x65536xf32> to vector<512x128xf32>
    %neg3A = arith.constant 0.000000e+00 : f32
    %neg3A_4 = vector.broadcast %neg3A : f32 to vector<512x128xf32>
    %neg3A_5 = arith.subf %neg3A_4, %reshape3A : vector<512x128xf32>
    %exp3A = math.exp %neg3A_5 : vector<512x128xf32>
    %add3A = arith.constant 1.000000e+00 : f32
    %add3A_6 = vector.broadcast %add3A : f32 to vector<512x128xf32>
    %add3A_7 = arith.addf %add3A_6, %exp3A : vector<512x128xf32>
    %div3A = arith.constant 1.000000e+00 : f32
    %div3A_8 = vector.broadcast %div3A : f32 to vector<512x128xf32>
    %div3A_9 = arith.divf %div3A_8, %add3A_7 : vector<512x128xf32>
    %gt3A = arith.constant 0.000000e+00 : f32
    %gt3A_10 = vector.broadcast %gt3A : f32 to vector<512x128xf32>
    %gt3A_11 = arith.cmpf ogt, %reshape3A_3, %gt3A_10 : vector<512x128xf32>
    %neg3A_12 = arith.constant 0.000000e+00 : f32
    %neg3A_13 = vector.broadcast %neg3A_12 : f32 to vector<512x128xf32>
    %neg3A_14 = arith.subf %neg3A_13, %div3A_9 : vector<512x128xf32>
    %select_n3A = arith.select %gt3A_11, %div3A_9, %neg3A_14 : vector<512x128xi1>, vector<512x128xf32>
    %mul3A = arith.constant 65536 : i32
    %mul3A_15 = arith.muli %arg0, %mul3A : i32
    %iota3A = tpu.iota {dimensions = array<i32: 0>} : vector<512x128xi32>
    %mul3A_16 = arith.constant 128 : i32
    %mul3A_17 = vector.broadcast %mul3A_16 : i32 to vector<512x128xi32>
    %mul3A_18 = arith.muli %iota3A, %mul3A_17 : vector<512x128xi32>
    %add3A_19 = vector.broadcast %mul3A_15 : i32 to vector<512x128xi32>
    %add3A_20 = arith.addi %add3A_19, %mul3A_18 : vector<512x128xi32>
    %iota3A_21 = tpu.iota {dimensions = array<i32: 1>} : vector<512x128xi32>
    %add3A_22 = arith.addi %add3A_20, %iota3A_21 : vector<512x128xi32>
    %lt3A = arith.constant 1000000 : i32
    %lt3A_23 = vector.broadcast %lt3A : i32 to vector<512x128xi32>
    %lt3A_24 = arith.cmpi slt, %add3A_22, %lt3A_23 : vector<512x128xi32>
    %jit3A = arith.constant 0.000000e+00 : f32
    %broadcast_in_dim3A_25 = vector.broadcast %jit3A : f32 to vector<512x128xf32>
    %select_n3A_26 = arith.select %lt3A_24, %select_n3A, %broadcast_in_dim3A_25 : vector<512x128xi1>, vector<512x128xf32>
    %swap3A = arith.constant 0 : index
    %swap3A_27 = arith.constant 0 : index
    %swap3A_28 = vector.load %arg2[%swap3A, %swap3A_27] : memref<512x128xf32, #tpu.memory_space<vmem>>, vector<512x128xf32>
    tpu.vector_store %arg2[%swap3A, %swap3A_27], %select_n3A_26 {strides = array<i32>} : memref<512x128xf32, #tpu.memory_space<vmem>>, vector<512x128xf32>,
    return
  }
  func.func @transform_0(%arg0: i32) -> (i32, i32) {
    %c0_i32 = arith.constant 0 : i32
    %c0_i32_0 = arith.constant 0 : i32
    return %c0_i32, %arg0 : i32, i32
  }
  func.func @transform_1(%arg0: i32) -> (i32, i32) {
    %c0_i32 = arith.constant 0 : i32
    %c0_i32_0 = arith.constant 0 : i32
    return %arg0, %c0_i32 : i32, i32
  }
}

</mosaic_0001>

<sc_bundles>
// kernel: kernel.5.cloned.1.call-start
scs
__scs_entry_jumppad:
0x0: {  	(pc) =	sbr.rel $0x88, $3  }
0x1: {  	(tag) =	ssettag $0x0;
	lr =	simm.s32 $0x1  }
0x2: {  	[smem:$0x3FA0] =	sst lr;
	_ =	strace $0xD0000000  }
0x3: {  	_ = 	snop  }
0x4: {  	_ = 	snop  }
0x5: {  	_ = 	snop  }
0x6: {  	_ = 	snop  }
0x7: {  	_ = 	snop  }
__scs_overlays_trampoline_lowered:
0x8: {  	[smem:$0x3FAF] =	sst s0  }
0x9: {  	[smem:$0x3FB0] =	sst s1  }
0xa: {  	[smem:$0x3FB1] =	sst s2  }
0xb: {  	[smem:$0x3FB2] =	sst s3  }
0xc: {  	[smem:$0x3FB3] =	sst s4  }
0xd: {  	[smem:$0x3FB4] =	sst s5  }
0xe: {  	[smem:$0x3FB5] =	sst s6  }
0xf: {  	[smem:$0x3FB6] =	sst s7  }
0x10: {  	[smem:$0x3FB7] =	sst s8  }
0x11: {  	[smem:$0x3FB8] =	sst s9;
	s0 =	simm.s32 @!p0 $0x0  }
0x12: {  	s1 =	sld [smem:$0x3F9E];
	s0 =	simm.s32 @p0 $0x1  }
0x13: {  	[smem:$0x3FB9] =	sst s0;
	s0 =	simm.s32 @!p1 $0x0  }
0x14: {  	s2 =	sld [smem:$0x3F9D];
	s0 =	simm.s32 @p1 $0x1  }
0x15: {  	[smem:$0x3FBA] =	sst s0;
	s0 =	simm.s32 @!p2 $0x0  }
0x16: {  	s3 =	sld [smem:$0x3FDB];
	s0 =	simm.s32 @p2 $0x1  }
0x17: {  	s4 =	simm.s32 $0x1BF5;
	[smem:$0x3FBC] =	sst s0  }
0x18: {  	s0 =	sld [smem:$0x3F9F];
	_ =	swait.ge [sflag:s4], $0x0  }
0x19: {  	s7 =	sld [smem:$0x3FA0]  }
0x1a: {  	s8 =	sadd.s32 $0xFFFFE003, lr  }
0x1b: {  	s9 =	sadd.s32 $0xFFFFFEF7, lr;
	s5 =	simm.s32 $0xFFFFFFFF;
	p2 =	slt.u32 s8, $0xFFFFF086  }
0x1c: {  	p1 =	slt.u32 s9, $0xF7A;
	s5 =	simm.s32 @!p2 $0x0  }
0x1d: {  	s5 =	simm.s32 @p1 $0x1;
	p0 =	seq.s32 s7, s2  }
0x1e: {  	s7 =	smul.u32 @!p0 $0xF7A, s2;
	p2 =	seq.s32 @!p0 s5, $0x0  }
0x1f: {  	s9 =	smul.u32 $0xF7A, s1;
	s8 =	simm.s32 @!p0 $0x1BF5;
	p2 =	por !p2, p0  }
0x20: {  	[sflag:s8] =	ssyncset.s32 @!p0 $0xFFFFF086;
	s6 =	sadd.s32 @!p0 s3, s7;
	s7 =	simm.s32 @!p0 $0x108  }
0x21: {  	s3 =	sadd.s32 s3, s9;
	s6 =	sadd.s32 @!p0 $0x88, s6;
	s7 =	simm.s32 @p2 $0x1082  }
0x22: {  	[simem:s7], [sflag:s8] =	dma.local @!p0 [hbm:s6], $0xF7A  }
0x23: {  	s9 =	sor.u32 $0xD0000000, s2;
	s6 =	simm.s32 $0x108;
	_ =	swait.ge @!p0 [sflag:s8], $0x0  }
0x24: {  	s3 =	sadd.s32 $0x88, s3;
	s6 =	simm.s32 @!p1 $0x1082;
	[sflag:s4] =	ssyncset.s32 $0xFFFFF086  }
0x25: {  	[simem:s6], [sflag:s4] =	dma.local [hbm:s3], $0xF7A  }
0x26: {  	[smem:$0x3FA0] =	sst s1;
	(tag) =	ssettag s2;
	_ =	strace s9  }
0x27: {  	s1 =	sld [smem:$0x3FB0]  }
0x28: {  	s2 =	sld [smem:$0x3FB1]  }
0x29: {  	s4 =	sld [smem:$0x3FB3]  }
0x2a: {  	p0 =	seq.s32 s5, $0x0;
	s5 =	sld [smem:$0x3FB4]  }
0x2b: {  	s6 =	sld [smem:$0x3FB5]  }
0x2c: {  	s7 =	sld [smem:$0x3FB6]  }
0x2d: {  	s3 =	simm.s32 $0x108;
	s8 =	sld [smem:$0x3FB7]  }
0x2e: {  	s3 =	simm.s32 @!p0 $0x1082;
	s9 =	sld [smem:$0x3FB8]  }
0x2f: {  	lr =	sadd.s32 s0, s3;
	s0 =	sld [smem:$0x3FAF]  }
0x30: {  	s3 =	sld [smem:$0x3FB2]  }
0x31: {  	[smem:$0x3FBB] =	sst s10  }
0x32: {  	s10 =	sld [smem:$0x3FB9];
	_ =	sdelay $0x3  }
0x33: {  	p0 =	seq.s32 s10, $0x1;
	s10 =	sld [smem:$0x3FBB];
	_ =	sdelay $0x3  }
0x34: {  	[smem:$0x3FBB] =	sst s10  }
0x35: {  	s10 =	sld [smem:$0x3FBA];
	_ =	sdelay $0x3  }
0x36: {  	p1 =	seq.s32 s10, $0x1;
	s10 =	sld [smem:$0x3FBB];
	_ =	sdelay $0x3  }
0x37: {  	[smem:$0x3FBB] =	sst s10  }
0x38: {  	s10 =	sld [smem:$0x3FBC]  }
0x39: {  	_ = 	snop;
	(pc) =	sbr.ind lr, $3  }
0x3a: {  	_ = 	snop  }
0x3b: {  	_ = 	snop  }
0x3c: {  	p2 =	seq.s32 s10, $0x1;
	s10 =	sld [smem:$0x3FBB]  }
0x3d: {  	_ =	shalt  }
0x3e: {  	_ =	shalt  }
0x3f: {  	_ =	shalt  }
0x40: {  	_ =	shalt  }
0x41: {  	_ =	shalt  }
0x42: {  	_ =	shalt  }
0x43: {  	_ =	shalt  }
0x44: {  	_ =	shalt  }
0x45: {  	_ =	shalt  }
0x46: {  	_ =	shalt  }
0x47: {  	_ =	shalt  }
0x48: {  	_ =	shalt  }
0x49: {  	_ =	shalt  }
0x4a: {  	_ =	shalt  }
0x4b: {  	_ =	shalt  }
0x4c: {  	_ =	shalt  }
0x4d: {  	_ =	shalt  }
0x4e: {  	_ =	shalt  }
0x4f: {  	_ =	shalt  }
0x50: {  	_ =	shalt  }
0x51: {  	_ =	shalt  }
0x52: {  	_ =	shalt  }
0x53: {  	_ =	shalt  }
0x54: {  	_ =	shalt  }
0x55: {  	_ =	shalt  }
0x56: {  	_ =	shalt  }
0x57: {  	_ =	shalt  }
0x58: {  	_ =	shalt  }
0x59: {  	_ =	shalt  }
0x5a: {  	_ =	shalt  }
0x5b: {  	_ =	shalt  }
0x5c: {  	_ =	shalt  }
0x5d: {  	_ =	shalt  }
0x5e: {  	_ =	shalt  }
0x5f: {  	_ =	shalt  }
0x60: {  	_ =	shalt  }
0x61: {  	_ =	shalt  }
0x62: {  	_ =	shalt  }
0x63: {  	_ =	shalt  }
0x64: {  	_ =	shalt  }
0x65: {  	_ =	shalt  }
0x66: {  	_ =	shalt  }
0x67: {  	_ =	shalt  }
0x68: {  	_ =	shalt  }
0x69: {  	_ =	shalt  }
0x6a: {  	_ =	shalt  }
0x6b: {  	_ =	shalt  }
0x6c: {  	_ =	shalt  }
0x6d: {  	_ =	shalt  }
0x6e: {  	_ =	shalt  }
0x6f: {  	_ =	shalt  }
0x70: {  	_ =	shalt  }
0x71: {  	_ =	shalt  }
0x72: {  	_ =	shalt  }
0x73: {  	_ =	shalt  }
0x74: {  	_ =	shalt  }
0x75: {  	_ =	shalt  }
0x76: {  	_ =	shalt  }
0x77: {  	_ =	shalt  }
0x78: {  	_ =	shalt  }
0x79: {  	_ =	shalt  }
0x7a: {  	_ =	shalt  }
0x7b: {  	_ =	shalt  }
0x7c: {  	_ =	shalt  }
0x7d: {  	_ =	shalt  }
0x7e: {  	_ =	shalt  }
0x7f: {  	_ =	shalt  }
0x80: {  	_ =	shalt  }
0x81: {  	_ =	shalt  }
0x82: {  	_ =	shalt  }
0x83: {  	_ =	shalt  }
0x84: {  	_ =	shalt  }
0x85: {  	_ =	shalt  }
0x86: {  	_ =	shalt  }
0x87: {  	_ =	shalt  }
.Lfunc_end0:
.L_simem_size_0:
called_computation_lowered:
.L_overlay_start_0:
0x88: {  	s2 =	sld [smem:$0x3FD9]  }
0x89: {  	s3 =	sld [smem:$0x3FFE];
	_ =	sdelay $0x1  }
0x8a: {  	s1 =	srdreg.scid  }
0x8b: {  	s0 =	sand.u32 $0x1, s1  }
0x8c: {  	s16 =	sshll.u32 s0, $0xA;
	s2 =	sadd.s32 s3, s2  }
0x8d: {  	s2 =	sadd.s32 s2, s16  }
0x8e: {  	[smem:$0x3FC7] =	sst s2  }
0x8f: {  	_ = 	snop  }
0x90: {  	(tm) =	ssettm $0x1  }
0x91: {  	s17 =	sld [smem:$0x3FFB];
	_ =	sdelay $0x3  }
0x92: {  	_ =	strace s17  }
0x93: {  	s2 =	sld [smem:$0x3FFC];
	_ =	sdelay $0x3  }
0x94: {  	_ =	strace s2  }
0x95: {  	s2 =	sld [smem:$0x3FFD];
	_ =	sdelay $0x3  }
0x96: {  	_ =	strace s2  }
0x97: {  	_ =	strace $0x8FFFFFFF  }
0x98: {  	s18 =	sld [smem:$0x3FDB];
	_ =	sdelay $0x1  }
0x99: {  	s19 =	simm.s32 $_scs_section_size  }
0x9a: {  	s4 =	simm.s32 $_size__tile_overlayer_lowered;
	s5 =	simm.s32 $_tile_overlayer_lowered  }
0x9b: {  	s22 =	simm.s32 $0x1BFF;
	s21 =	sshll.u32 s5, $0x1;
	s2 =	sadd.s32 s19, s18  }
0x9c: {  	s6 =	simm.s32 $0x0;
	s20 =	sshll.u32 s4, $0x1;
	s4 =	sadd.s32 s21, s2  }
0x9d: {  	[timem:s6], [sflag:s22] =	dma.local [hbm:s4], s20  }
0x9e: {  	_ =	swait.ge [sflag:s22], s20  }
0x9f: {  	s3 =	ssub.s32 $0x0, s20;
	[sflag:s22] =	ssyncset.done $0x0  }
0xa0: {  	[sflag:s22] =	ssyncadd.s32 s3;
	_ =	sdelay $0x1  }
0xa1: {  	s23 =	simm.s32 $0x1B8B  }
0xa2: {  	_ =	swait.ge [sflag:s23], $0x1  }
0xa3: {  	[sflag:s23] =	ssyncset.done $0x0  }
0xa4: {  	s25 =	simm.s32 $0x1B8E;
	s24 =	sld [smem:$0x3FFE];
	[sflag:s23] =	ssyncadd.s32 $0xFFFFFFFF  }
0xa5: {  	s26 =	simm.s32 $execute0_lowered;
	[smem:$0x3FD2] =	sst s25  }
0xa6: {  	s4 =	sshll.u32 s26, $0x1;
	_ =	strace $0x80000046;
	[dreg:$0x1] =	wrdreg $0xFFFFFFFF  }
0xa7: {  	s28 =	simm.s32 $_size_execute0_lowered;
	s2 =	sadd.s32 s2, s4;
	[dreg:$0x0] =	wrdreg $0x0  }
0xa8: {  	s4 =	sshll.u32 s28, $0x1;
	[dreg:$0x2] =	wrdreg s2  }
0xa9: {  	[dreg:$0x3] =	wrdreg s4  }
0xaa: {  	[dreg:$0x4] =	wrdreg $0xC0  }
0xab: {  	_ =	task [dreg:s6], $0x5FFFF  }
0xac: {  	[dreg:$0x1] =	wrdreg $0xFFFFFFFF  }
0xad: {  	[dreg:$0x0] =	wrdreg $0x60  }
0xae: {  	[dreg:$0x2] =	wrdreg s24  }
0xaf: {  	[dreg:$0x3] =	wrdreg $0x9  }
0xb0: {  	_ =	task.clear_ibuf [dreg:s6], $0x4FFFF;
	_ =	strace $0x90000046  }
0xb1: {  	s29 =	simm.s32 $0x9;
	_ =	strace $0x80000048  }
0xb2: {  	_ =	swait.ge [sflag:s29], $0x1  }
0xb3: {  	[sflag:s29] =	ssyncadd.s32 $0xFFFFFFFF  }
0xb4: {  	_ =	strace $0x90000048  }
0xb5: {  	_ =	sfence  }
0xb6: {  	s30 =	sld [smem:$0x0];
	_ =	sdelay $0x2  }
0xb7: {  	s31 =	sshll.u32 s1, $0xD;
	s1 =	sshrl.u32 s1, $0x2  }
0xb8: {  	s3 =	sand.u32 $0x4000, s31;
	s1 =	sadd.s32 s1, s30  }
0xb9: {  	s0 =	sor.u32 s3, s0;
	s1 =	sshll.u32 s1, $0x11  }
0xba: {  	s0 =	sor.u32 s1, s0  }
0xbb: {  	s0 =	sadd.s32 $0x8F2B, s0  }
0xbc: {  	[sflag:s0] =	ssyncadd.remote.s32 $0x1  }
0xbd: {  	_ =	sfence.sel $0xFFFF  }
0xbe: {  	[dreg:$0x0] =	wrdreg $0xFFFFFFFF;
	(pc) =	sbr.abs _section_cstart, $3  }
0xbf: {  	[dreg:$0x1] =	wrdreg $0xFFFFFFFF  }
0xc0: {  	_ =	task.clear_ibuf [dreg:s6], $0x2FFFF;
	_ =	strace $0x9FFFFFFF  }
0xc1: {  	(tm) =	ssettm $0x7FFFFFFF  }
tec
execute0_lowered:
.L_overlay_start_1:
0x0: {  	(tag) =	ssettag $0x1  }
0x1: {  	s3 =	rddreg [dreg:$0x0]  }
0x2: {  	s0 =	rddreg [dreg:$0x1]  }
0x3: {  	s2 =	simm.s32 $0x0;
	s4 =	srdreg.scid;
	s1 =	stileid.u32  }
0x4: {  	s8 =	simm.s32 $0x80;
	s9 =	simm.s32 $0x400;
	s10 =	simm.s32 $0x0  }
0x5: {  	[smem:$0x7FF] =	sst s2;
	s4 =	sand.u32 $0x1, s4;
	s5 =	sshll.u32 s1, $0x1  }
0x6: {  	s6 =	sshll.u32 s1, $0x6;
	_ =	strace $0x80000047;
	s5 =	sor.u32 s4, s5  }
0x7: {  	s6 =	sand.u32 $0x300, s6;
	s4 =	ssub.s32 $0x2, s4;
	s7 =	sshll.u32 s5, $0xC  }
0x8: {  	s5 =	sshll.u32 s5, $0x4;
	s6 =	sadd.s32 s6, s3;
	s30 =	sshrl.u32 s4, $0x1  }
0x9: {  	s5 =	sand.u32 $0x70, s5;
	s3 =	sadd.s32 s7, s3;
	s31 =	ssub.s32 s4, s30  }
0xa: {  	s7 =	simm.s32 $0x8000;
	s5 =	sadd.s32 s5, s6;
	s3 =	sadd.s32 $0x800, s3  }
0xb: {  	v0 =	vimm.f32 $0.0e+00;
	v20 =	vlaneseq.u32;
	s6 =	simm.s32 $0x1;
	s4 =	sadd.s32 $0x20800, s5;
	s5 =	smax.u32 s31, $0x1  }
.LBB2_1:
0xc: {  	[tilespmem:$0x8000] =	vst v0  }
0xd: {  	[tilespmem:$0x8010] =	vst v0  }
0xe: {  	[tilespmem:$0x8020] =	vst v0  }
0xf: {  	[tilespmem:$0x8030] =	vst v0  }
0x10: {  	[tilespmem:$0x8040] =	vst v0  }
0x11: {  	[tilespmem:$0x8050] =	vst v0  }
0x12: {  	[tilespmem:$0x8060] =	vst v0  }
0x13: {  	[tilespmem:$0x8070] =	vst v0  }
0x14: {  	[tilespmem:$0x8080] =	vst v0  }
0x15: {  	[tilespmem:$0x8090] =	vst v0  }
0x16: {  	[tilespmem:$0x80A0] =	vst v0  }
0x17: {  	[tilespmem:$0x80B0] =	vst v0  }
0x18: {  	[tilespmem:$0x80C0] =	vst v0  }
0x19: {  	[tilespmem:$0x80D0] =	vst v0  }
0x1a: {  	[tilespmem:$0x80E0] =	vst v0  }
0x1b: {  	[tilespmem:$0x80F0] =	vst v0  }
0x1c: {  	[tilespmem:s2], [sflag:$0x1] =	stream.linear.gather [hbm4b:s3+s2], $0x8000, $0x38;
	[tilespmem:$0x8100] =	vst v63  }
0x1d: {  	_ =	swait.ge [sflag:s6], $0x8000  }
0x1e: {  	[sflag:s6] =	ssyncset.done $0x0  }
0x1f: {  	s11 =	simm.s32 $0x100;
	[sflag:s6] =	ssyncadd.s32 $0xFFFF8000  }
0x20: {  	v17 =	vld [tilespmem:s11+$0xF0]  }
0x21: {  	v2 =	vld [tilespmem:s11+$0xFFFFFF10]  }
0x22: {  	v5 =	vld [tilespmem:s11+$0xFFFFFF20]  }
0x23: {  	v45 =	vld [tilespmem:s11+$0xFFFFFF30]  }
0x24: {  	v44 =	vld [tilespmem:s11+$0xFFFFFF40]  }
0x25: {  	v42 =	vld [tilespmem:s11+$0xFFFFFF50]  }
0x26: {  	v39 =	vld [tilespmem:s11+$0xFFFFFF60]  }
0x27: {  	v36 =	vld [tilespmem:s11+$0xFFFFFF70];
	v1 =	vand.u32 $0x7FFFFFFF, v2  }
0x28: {  	v35 =	vld [tilespmem:s11+$0xFFFFFF80];
	[tilespmem:$0x1FBC0] =	vst v1;
	v6 =	vadd.f32 $-5.000000000e-01, v1;
	v1 =	vand.u32 $0x7FFFFFFF, v5  }
0x29: {  	v37 =	vld [tilespmem:s11+$0xFFFFFF90];
	[tilespmem:$0x1FBE0] =	vst v1;
	v7 =	vadd.f32 $-5.000000000e-01, v1;
	v1 =	vand.u32 $0x7FFFFFFF, v45  }
0x2a: {  	v38 =	vld [tilespmem:s11+$0xFFFFFFA0];
	[tilespmem:$0x1FC00] =	vst v1  }
0x2b: {  	v3 =	vld [tilespmem:s11+$0xFFFFFFD0];
	_ =	sdelay $0x3  }
0x2c: {  	v40 =	vld [tilespmem:s11+$0xFFFFFFB0]  }
0x2d: {  	v41 =	vld [tilespmem:s11+$0xFFFFFFC0];
	[tilespmem:$0x1FB00] =	vst v3  }
0x2e: {  	v4 =	vld [tilespmem:s11+$0xFFFFFFE0];
	_ =	sdelay $0x4  }
0x2f: {  	[tilespmem:$0x1FB10] =	vst v4  }
0x30: {  	vm6 =	vgt.f32 v5, $0.0e+00;
	v5 =	vld [tilespmem:s11+$0xFFFFFFF0];
	_ =	sdelay $0x4  }
0x31: {  	[tilespmem:$0x1FB20] =	vst v5  }
0x32: {  	v47 =	vmul.f32 $3.000000000e+01, v6;
	v6 =	vld [tilespmem:s11+$0x0];
	_ =	sdelay $0x2  }
0x33: {  	v46 =	vand.u32 $0x7FFFFFFF, v17  }
0x34: {  	vm4 =	vgt.f32 v2, $0.0e+00;
	v2 =	vadd.f32 $-5.000000000e-01, v46  }
0x35: {  	[tilespmem:$0x1FB30] =	vst v6  }
0x36: {  	v2 =	vmul.f32 $3.000000000e+01, v2;
	v48 =	vmul.f32 $3.000000000e+01, v7;
	v7 =	vld [tilespmem:s11+$0x10];
	_ =	sdelay $0x1  }
0x37: {  	v2 =	vtrunc.f32 v2  }
0x38: {  	v43 =	vcvt.f32.s32 v2;
	v2 =	vand.u32 $0x7FFFFFFF, v3  }
0x39: {  	v18 =	vimm.s32 $0x0;
	v21 =	vand.u32 $0x7FFFFFFF, v44;
	[tilespmem:$0x1FCF0] =	vst v2  }
0x3a: {  	v22 =	vand.u32 $0x7FFFFFFF, v42;
	v15 =	vand.u32 $0x7FFFFFFF, v36;
	v16 =	vand.u32 $0x7FFFFFFF, v35;
	[tilespmem:$0x1FB40] =	vst v7  }
0x3b: {  	vm2 =	vgt.f32 v17, $0.0e+00;
	vm11 =	vgt.f32 v44, $0.0e+00;
	v26 =	vadd.f32 $-5.000000000e-01, v21;
	v8 =	vld [tilespmem:s11+$0x20]  }
0x3c: {  	v27 =	vadd.f32 $-5.000000000e-01, v22;
	v29 =	vadd.f32 $-5.000000000e-01, v15;
	v3 =	vand.u32 $0x7FFFFFFF, v4  }
0x3d: {  	v30 =	vadd.f32 $-5.000000000e-01, v16;
	v49 =	vadd.f32 $-5.000000000e-01, v2;
	v2 =	vand.u32 $0x7FFFFFFF, v5;
	[tilespmem:$0x1FD30] =	vst v3  }
0x3e: {  	vm0 =	vgt.f32 v46, $5.000000000e-01;
	v51 =	vadd.f32 $-5.000000000e-01, v2;
	[tilespmem:$0x1FDA0] =	vst v2;
	v2 =	vand.u32 $0x7FFFFFFF, v6  }
0x3f: {  	v18 =	vsel vm0, $0xFFFFFFFF, v18;
	vm0 =	vgt.f32 v45, $0.0e+00;
	v25 =	vadd.f32 $-5.000000000e-01, v1;
	[tilespmem:$0x1FDC0] =	vst v2  }
0x40: {  	v1 =	vand.u32 $0x7FFFFFFF, v39;
	v54 =	vmul.f32 $3.000000000e+01, v26;
	v55 =	vmul.f32 $3.000000000e+01, v27;
	[tilespmem:$0x1FB60] =	vst v8  }
0x41: {  	v58 =	vmul.f32 $3.000000000e+01, v29;
	v28 =	vadd.f32 $-5.000000000e-01, v1;
	v50 =	vadd.f32 $-5.000000000e-01, v3;
	v3 =	vld [tilespmem:s11+$0x30]  }
0x42: {  	v59 =	vmul.f32 $3.000000000e+01, v30;
	v52 =	vmul.f32 $3.000000000e+01, v25;
	v19 =	vand.u32 $0x7FFFFFFF, v37  }
0x43: {  	v45 =	vtrunc.f32 v54;
	v56 =	vmul.f32 $3.000000000e+01, v28;
	v31 =	vadd.f32 $-5.000000000e-01, v19  }
0x44: {  	v14 =	vand.u32 $0x7FFFFFFF, v38;
	v23 =	vand.u32 $0x7FFFFFFF, v40;
	v24 =	vand.u32 $0x7FFFFFFF, v41  }
0x45: {  	v44 =	vtrunc.f32 v56;
	v33 =	vadd.f32 $-5.000000000e-01, v23;
	v34 =	vadd.f32 $-5.000000000e-01, v24  }
0x46: {  	v32 =	vadd.f32 $-5.000000000e-01, v14;
	v44 =	vcvt.f32.s32 v44;
	v61 =	vmul.f32 $3.000000000e+01, v31;
	[tilespmem:$0x1FB70] =	vst v3  }
0x47: {  	vm7 =	vgt.f32 v36, $0.0e+00;
	v63 =	vmul.f32 $3.000000000e+01, v33;
	v12 =	vmul.f32 $3.000000000e+01, v34;
	v4 =	vld [tilespmem:s11+$0x40]  }
0x48: {  	vm8 =	vgt.f32 v35, $0.0e+00;
	v62 =	vmul.f32 $3.000000000e+01, v32;
	v49 =	vmul.f32 $3.000000000e+01, v49  }
0x49: {  	v25 =	vsel vm2, $0x3F800000, v0;
	v54 =	vtrunc.f32 v63;
	v12 =	vtrunc.f32 v12  }
0x4a: {  	v50 =	vmul.f32 $3.000000000e+01, v50;
	v53 =	vadd.f32 $-5.000000000e-01, v2;
	v2 =	vand.u32 $0x7FFFFFFF, v7  }
0x4b: {  	vm13 =	vgt.f32 v37, $0.0e+00;
	v49 =	vtrunc.f32 v49;
	v51 =	vmul.f32 $3.000000000e+01, v51;
	[tilespmem:$0x1FE20] =	vst v2  }
0x4c: {  	v50 =	vtrunc.f32 v50;
	v57 =	vadd.f32 $-5.000000000e-01, v2;
	v2 =	vand.u32 $0x7FFFFFFF, v8;
	[tilespmem:$0x1FB90] =	vst v4  }
0x4d: {  	v50 =	vcvt.f32.s32 v50;
	v51 =	vtrunc.f32 v51;
	v31 =	vadd.f32 $-5.000000000e-01, v2;
	v26 =	vld [tilespmem:s11+$0x50];
	[tilespmem:$0x1FD60] =	vst v2  }
0x4e: {  	v51 =	vcvt.f32.s32 v51;
	v53 =	vmul.f32 $3.000000000e+01, v53;
	v2 =	vand.u32 $0x7FFFFFFF, v3;
	v27 =	vld [tilespmem:s11+$0x60]  }
0x4f: {  	v11 =	vmul.f32 $3.000000000e+01, v31;
	v28 =	vld [tilespmem:s11+$0x70];
	[tilespmem:$0x1FD70] =	vst v2;
	v60 =	vadd.f32 $-5.000000000e-01, v2;
	v2 =	vand.u32 $0x7FFFFFFF, v4  }
0x50: {  	v57 =	vmul.f32 $3.000000000e+01, v57;
	v53 =	vtrunc.f32 v53;
	v34 =	vadd.f32 $-5.000000000e-01, v2  }
0x51: {  	vm14 =	vgt.f32 v38, $0.0e+00;
	v11 =	vtrunc.f32 v11;
	v29 =	vld [tilespmem:s11+$0x80];
	v9 =	vmul.f32 $3.000000000e+01, v60  }
0x52: {  	v11 =	vcvt.f32.s32 v11;
	v30 =	vld [tilespmem:s11+$0x90];
	[tilespmem:$0x1FD80] =	vst v2;
	v34 =	vmul.f32 $3.000000000e+01, v34;
	v2 =	vand.u32 $0x7FFFFFFF, v26  }
0x53: {  	v9 =	vtrunc.f32 v9;
	v60 =	vadd.f32 $-5.000000000e-01, v2;
	v3 =	vand.u32 $0x7FFFFFFF, v27  }
0x54: {  	v31 =	vld [tilespmem:s11+$0xA0];
	[tilespmem:$0x1FE10] =	vst v2;
	v2 =	vand.u32 $0x7FFFFFFF, v28;
	v34 =	vtrunc.f32 v34;
	v4 =	vadd.f32 $-5.000000000e-01, v3  }
0x55: {  	v9 =	vcvt.f32.s32 v9;
	v5 =	vld [tilespmem:s11+$0xFFFFFF00];
	[tilespmem:$0x1FE50] =	vst v3;
	v3 =	vadd.f32 $-5.000000000e-01, v2;
	v34 =	vcvt.f32.s32 v34  }
0x56: {  	vm9 =	vgt.s32 v43, $0x0;
	v32 =	vld [tilespmem:s11+$0xB0];
	[tilespmem:$0x1FF40] =	vst v2;
	v60 =	vmul.f32 $3.000000000e+01, v60;
	v7 =	vmul.f32 $3.000000000e+01, v4  }
0x57: {  	v33 =	vld [tilespmem:s11+$0xC0];
	v6 =	vmul.f32 $3.000000000e+01, v3;
	[tilespmem:$0x1FDD0] =	vst v18;
	v18 =	vsub.f32 v46, v25;
	v25 =	vtrunc.f32 v47  }
0x58: {  	vm15 =	vgt.f32 v40, $0.0e+00;
	v46 =	vtrunc.f32 v52;
	v47 =	vtrunc.f32 v55  }
0x59: {  	v2 =	vand.u32 $0x7FFFFFFF, v29;
	v52 =	vtrunc.f32 v61;
	v55 =	vtrunc.f32 v57  }
0x5a: {  	[tilespmem:$0x1FD90] =	vst v2;
	v2 =	vadd.f32 $-5.000000000e-01, v2;
	v56 =	vtrunc.f32 v60;
	v25 =	vcvt.f32.s32 v25  }
0x5b: {  	vm12 =	vgt.f32 v41, $0.0e+00;
	v60 =	vcvt.f32.s32 v45;
	v61 =	vcvt.f32.s32 v47  }
0x5c: {  	v63 =	vnsel vm9, $0x0, v43;
	v47 =	vcvt.f32.s32 v54;
	v8 =	vmul.f32 $3.000000000e+01, v2  }
0x5d: {  	v2 =	vand.u32 $0x7FFFFFFF, v30;
	[tilespmem:$0x1FDE0] =	vst v18;
	v18 =	vimm.s32 $0x0;
	v7 =	vtrunc.f32 v7  }
0x5e: {  	v6 =	vtrunc.f32 v6;
	v13 =	vand.u32 $0x7FFFFFFF, v5;
	v10 =	vadd.f32 $-5.000000000e-01, v2  }
0x5f: {  	vm5 =	vgt.f32 v5, $0.0e+00;
	v5 =	vtrunc.f32 v48;
	v18 =	vsel vm0, $0xFFFFFFFF, v18  }
0x60: {  	v48 =	vtrunc.f32 v58;
	vm0 =	vgt.f32 v42, $0.0e+00;
	v42 =	vtrunc.f32 v59  }
0x61: {  	[tilespmem:$0x1FE70] =	vst v2;
	v2 =	vand.u32 $0x7FFFFFFF, v31;
	v59 =	vcvt.f32.s32 v46;
	v46 =	vcvt.f32.s32 v52  }
0x62: {  	vm10 =	vgt.s32 v25, $0x0;
	v7 =	vcvt.f32.s32 v7;
	v6 =	vcvt.f32.s32 v6  }
0x63: {  	[tilespmem:$0x1FFA0] =	vst v2;
	v17 =	vadd.f32 $-5.000000000e-01, v13;
	v4 =	vadd.f32 $-5.000000000e-01, v2;
	v2 =	vand.u32 $0x7FFFFFFF, v32  }
0x64: {  	[tilespmem:$0x1FB50] =	vst v18;
	v18 =	vimm.s32 $0x0;
	v8 =	vtrunc.f32 v8;
	v5 =	vcvt.f32.s32 v5  }
0x65: {  	v45 =	vcvt.f32.s32 v48;
	v37 =	vnsel vm10, $0x0, v25;
	v3 =	vand.u32 $0x7FFFFFFF, v33  }
0x66: {  	[tilespmem:$0x1FF90] =	vst v2;
	v2 =	vadd.f32 $-5.000000000e-01, v2;
	v10 =	vmul.f32 $3.000000000e+01, v10;
	v18 =	vsel vm0, $0xFFFFFFFF, v18  }
0x67: {  	vm0 =	vgt.f32 v39, $0.0e+00;
	v39 =	vtrunc.f32 v62;
	v62 =	vcvt.f32.s32 v53  }
0x68: {  	vm10 =	vgt.s32 v59, $0x0;
	v8 =	vcvt.f32.s32 v8;
	v17 =	vmul.f32 $3.000000000e+01, v17  }
0x69: {  	v4 =	vmul.f32 $3.000000000e+01, v4;
	[tilespmem:$0x1FB80] =	vst v18;
	v18 =	vimm.s32 $0x0;
	v25 =	vcvt.f32.s32 v39  }
0x6a: {  	v39 =	vnsel vm10, $0x0, v59;
	vm10 =	vgt.s32 v61, $0x0;
	v2 =	vmul.f32 $3.000000000e+01, v2  }
0x6b: {  	v41 =	vnsel vm10, $0x0, v61;
	vm10 =	vgt.s32 v45, $0x0;
	v17 =	vtrunc.f32 v17  }
0x6c: {  	v43 =	vnsel vm10, $0x0, v45;
	vm10 =	vgt.s32 v46, $0x0;
	v17 =	vcvt.f32.s32 v17  }
0x6d: {  	v18 =	vsel vm0, $0xFFFFFFFF, v18;
	v45 =	vnsel vm10, $0x0, v46;
	vm10 =	vgt.s32 v47, $0x0  }
0x6e: {  	v61 =	vcvt.f32.s32 v56;
	v47 =	vnsel vm10, $0x0, v47;
	vm9 =	vgt.s32 v17, $0x0  }
0x6f: {  	v35 =	vnsel vm9, $0x0, v17;
	vm9 =	vgt.s32 v5, $0x0;
	v17 =	vcvt.f32.s32 v42  }
0x70: {  	v38 =	vnsel vm9, $0x0, v5;
	vm9 =	vgt.s32 v60, $0x0;
	v5 =	vcvt.f32.s32 v12  }
0x71: {  	v12 =	vcvt.f32.s32 v49;
	v40 =	vnsel vm9, $0x0, v60;
	vm9 =	vgt.s32 v44, $0x0  }
0x72: {  	v60 =	vcvt.f32.s32 v55;
	v42 =	vnsel vm9, $0x0, v44;
	vm9 =	vgt.s32 v17, $0x0  }
0x73: {  	[tilespmem:$0x1FEE0] =	vst v3;
	vm10 =	vgt.s32 v12, $0x0;
	v44 =	vnsel vm9, $0x0, v17;
	vm9 =	vgt.s32 v25, $0x0  }
0x74: {  	[tilespmem:$0x1FBA0] =	vst v18;
	v49 =	vnsel vm10, $0x0, v12;
	vm10 =	vgt.s32 v51, $0x0;
	v46 =	vnsel vm9, $0x0, v25  }
0x75: {  	v12 =	vld [tilespmem:s11+$0xE0];
	vm9 =	vgt.s32 v5, $0x0;
	v51 =	vnsel vm10, $0x0, v51;
	vm10 =	vgt.s32 v60, $0x0  }
0x76: {  	v36 =	vnsel vm9, $0x0, v5;
	vm9 =	vgt.s32 v50, $0x0;
	v5 =	vld [tilespmem:s11+$0xD0];
	v53 =	vnsel vm10, $0x0, v60  }
0x77: {  	vm10 =	vgt.s32 v9, $0x0;
	v50 =	vnsel vm9, $0x0, v50;
	vm9 =	vgt.s32 v62, $0x0  }
0x78: {  	v55 =	vnsel vm10, $0x0, v9;
	vm10 =	vgt.s32 v61, $0x0;
	v52 =	vnsel vm9, $0x0, v62  }
0x79: {  	vm9 =	vgt.s32 v11, $0x0;
	v57 =	vnsel vm10, $0x0, v61;
	vm10 =	vgt.s32 v6, $0x0  }
0x7a: {  	v54 =	vnsel vm9, $0x0, v11;
	vm9 =	vgt.s32 v34, $0x0;
	v18 =	vand.u32 $0x7FFFFFFF, v12  }
0x7b: {  	v56 =	vnsel vm9, $0x0, v34;
	vm9 =	vgt.s32 v7, $0x0;
	v9 =	vand.u32 $0x7FFFFFFF, v5  }
0x7c: {  	v58 =	vnsel vm9, $0x0, v7;
	[tilespmem:$0x1FFC0] =	vst v9;
	v7 =	vadd.f32 $-5.000000000e-01, v9;
	v9 =	vtrunc.f32 v10  }
0x7d: {  	v59 =	vnsel vm10, $0x0, v6;
	v6 =	vadd.f32 $-5.000000000e-01, v18;
	v9 =	vcvt.f32.s32 v9  }
0x7e: {  	v4 =	vtrunc.f32 v4;
	v2 =	vtrunc.f32 v2;
	v17 =	vld [tilespmem:$0x1FB40];
	vm9 =	vgt.s32 v8, $0x0  }
0x7f: {  	v48 =	vnsel vm9, $0x0, v8;
	v6 =	vmul.f32 $3.000000000e+01, v6;
	v10 =	vld [tilespmem:$0x1FB20];
	vm9 =	vgt.s32 v9, $0x0  }
0x80: {  	v4 =	vcvt.f32.s32 v4;
	v7 =	vmul.f32 $3.000000000e+01, v7;
	v8 =	vnsel vm9, $0x0, v9;
	v9 =	vld [tilespmem:$0x1FB00]  }
0x81: {  	v2 =	vcvt.f32.s32 v2;
	v6 =	vtrunc.f32 v6  }
0x82: {  	v60 =	vld [tilespmem:$0x1FB80];
	v6 =	vcvt.f32.s32 v6;
	v7 =	vtrunc.f32 v7;
	vm9 =	vgt.s32 v4, $0x0  }
0x83: {  	v4 =	vnsel vm9, $0x0, v4;
	v7 =	vcvt.f32.s32 v7;
	vm9 =	vgt.s32 v2, $0x0  }
0x84: {  	vm1 =	vgt.f32 v10, $0.0e+00;
	v10 =	vsel vm4, $0x3F800000, v0;
	vm4 =	vgt.f32 v17, $0.0e+00;
	v17 =	vld [tilespmem:$0x1FB50]  }
0x85: {  	v2 =	vnsel vm9, $0x0, v2;
	vm9 =	vgt.s32 v7, $0x0;
	vm3 =	vgt.f32 v9, $0.0e+00;
	v9 =	vld [tilespmem:$0x1FB10]  }
0x86: {  	v25 =	vld [tilespmem:$0x1FB60];
	v7 =	vnsel vm9, $0x0, v7;
	vm9 =	vgt.s32 v6, $0x0  }
0x87: {  	v6 =	vnsel vm9, $0x0, v6;
	vm9 =	vnez.u8 v60;
	v60 =	vld [tilespmem:$0x1FB90];
	_ =	sdelay $0x2  }
0x88: {  	vm0 =	vgt.f32 v9, $0.0e+00;
	v9 =	vsel vm5, $0x3F800000, v0;
	vm5 =	vnez.u8 v17  }
0x89: {  	v17 =	vsel vm5, $0x3F800000, v0  }
0x8a: {  	vm5 =	vgt.f32 v25, $0.0e+00;
	v25 =	vsel vm11, $0x3F800000, v0;
	vm11 =	vgt.f32 v60, $0.0e+00;
	v60 =	vld [tilespmem:$0x1FBA0];
	_ =	sdelay $0x4  }
0x8b: {  	v34 =	vsel vm9, $0x3F800000, v0;
	vm9 =	vnez.u8 v60  }
0x8c: {  	v11 =	vld [tilespmem:$0x1FB30];
	v60 =	vsel vm9, $0x3F800000, v0  }
0x8d: {  	v62 =	vld [tilespmem:$0x1FB70];
	vm9 =	vgt.f32 v27, $0.0e+00;
	v27 =	vsel vm8, $0x3F800000, v0;
	vm8 =	vgt.f32 v28, $0.0e+00  }
0x8e: {  	v28 =	vsel vm13, $0x3F800000, v0;
	vm13 =	vgt.f32 v30, $0.0e+00;
	v30 =	vimm.s32 $0x0  }
0x8f: {  	v30 =	vsel vm13, $0xFFFFFFFF, v30;
	vm13 =	vgt.f32 v31, $0.0e+00;
	v31 =	vimm.s32 $0x0  }
0x90: {  	v61 =	vimm.s32 $0x0;
	v31 =	vsel vm13, $0xFFFFFFFF, v31  }
0x91: {  	vm2 =	vgt.f32 v11, $0.0e+00;
	[tilespmem:$0x1FCA0] =	vst v31;
	v31 =	vsel vm12, $0x3F800000, v0;
	vm12 =	vgt.f32 v32, $0.0e+00  }
0x92: {  	v11 =	vsel vm6, $0x3F800000, v0;
	vm6 =	vgt.f32 v62, $0.0e+00;
	v32 =	vsel vm12, $0xFFFFFFFF, v61  }
0x93: {  	v62 =	vimm.s32 $0x0;
	[tilespmem:$0x1FCC0] =	vst v32;
	v32 =	vsel vm3, $0x3F800000, v0;
	vm3 =	vgt.f32 v33, $0.0e+00  }
0x94: {  	v3 =	vadd.f32 $-5.000000000e-01, v3;
	v33 =	vsel vm3, $0xFFFFFFFF, v62;
	vm3 =	vgt.f32 v12, $0.0e+00;
	v12 =	vld [tilespmem:$0x1FBC0];
	_ =	sdelay $0x1  }
0x95: {  	v3 =	vmul.f32 $3.000000000e+01, v3;
	v9 =	vsub.f32 v13, v9;
	_ =	sdelay $0x1  }
0x96: {  	v3 =	vtrunc.f32 v3;
	[tilespmem:$0x1FBB0] =	vst v9;
	v9 =	vsel vm2, $0x3F800000, v0  }
0x97: {  	v3 =	vcvt.f32.s32 v3;
	[tilespmem:$0x1FE80] =	vst v9;
	v9 =	vsub.f32 v12, v10;
	v10 =	vld [tilespmem:$0x1FBE0];
	_ =	sdelay $0x1  }
0x98: {  	vm10 =	vgt.s32 v3, $0x0  }
0x99: {  	v3 =	vnsel vm10, $0x0, v3  }
0x9a: {  	vm10 =	vgt.f32 v26, $0.0e+00;
	v26 =	vsel vm7, $0x3F800000, v0;
	vm7 =	vgt.f32 v29, $0.0e+00  }
0x9b: {  	v29 =	vsel vm14, $0x3F800000, v0;
	[tilespmem:$0x1FBD0] =	vst v9;
	v9 =	vsub.f32 v10, v11;
	vm14 =	vgt.f32 v10, $5.000000000e-01;
	v10 =	vld [tilespmem:$0x1FC00];
	_ =	sdelay $0x4  }
0x9c: {  	[tilespmem:$0x1FBF0] =	vst v9;
	v9 =	vsub.f32 v10, v17;
	_ =	sdelay $0x1  }
0x9d: {  	[tilespmem:$0x1FC10] =	vst v9;
	v9 =	vsub.f32 v21, v25;
	_ =	sdelay $0x1  }
0x9e: {  	[tilespmem:$0x1FC20] =	vst v9;
	v9 =	vsub.f32 v22, v34  }
0x9f: {  	vm13 =	vgt.f32 v10, $5.000000000e-01;
	v10 =	vsel vm10, $0x3F800000, v0  }
0xa0: {  	vm10 =	vgt.f32 v1, $5.000000000e-01;
	[tilespmem:$0x1FC30] =	vst v9;
	v9 =	vsub.f32 v1, v60;
	v1 =	vsub.f32 v15, v26;
	_ =	sdelay $0x1  }
0xa1: {  	[tilespmem:$0x1FC50] =	vst v1;
	v1 =	vsub.f32 v16, v27;
	_ =	sdelay $0x1  }
0xa2: {  	[tilespmem:$0x1FC60] =	vst v1;
	v1 =	vsub.f32 v19, v28  }
0xa3: {  	[tilespmem:$0x1FC80] =	vst v30  }
0xa4: {  	[tilespmem:$0x1FC70] =	vst v1;
	v1 =	vld [tilespmem:$0x1FC80];
	_ =	sdelay $0x2  }
0xa5: {  	[tilespmem:$0x1FCE0] =	vst v33;
	v33 =	vsel vm0, $0x3F800000, v0;
	vm0 =	vgt.f32 v5, $0.0e+00;
	v5 =	vimm.s32 $0x0  }
0xa6: {  	v5 =	vsel vm0, $0xFFFFFFFF, v5  }
0xa7: {  	[tilespmem:$0x1FD10] =	vst v5;
	v5 =	vsel vm1, $0x3F800000, v0;
	vm1 =	vnez.u8 v1;
	v1 =	vsub.f32 v14, v29;
	_ =	sdelay $0x1  }
0xa8: {  	[tilespmem:$0x1FC90] =	vst v1;
	v1 =	vld [tilespmem:$0x1FCA0];
	_ =	sdelay $0x2  }
0xa9: {  	v30 =	vsel vm15, $0x3F800000, v0;
	vm15 =	vgt.f32 v13, $5.000000000e-01  }
0xaa: {  	vm0 =	vgt.f32 v12, $5.000000000e-01;
	v12 =	vsel vm6, $0x3F800000, v0;
	vm6 =	vgt.f32 v14, $5.000000000e-01;
	v14 =	vld [tilespmem:$0x1FCF0]  }
0xab: {  	v13 =	vsub.f32 v23, v30;
	v62 =	vsel vm1, $0x3F800000, v0;
	vm1 =	vnez.u8 v1;
	v1 =	vld [tilespmem:$0x1FCC0];
	_ =	sdelay $0x1  }
0xac: {  	[tilespmem:$0x1FCB0] =	vst v13;
	v13 =	vsub.f32 v24, v31;
	_ =	sdelay $0x1  }
0xad: {  	[tilespmem:$0x1FCD0] =	vst v13;
	v26 =	vsel vm7, $0x3F800000, v0;
	v13 =	vsub.f32 v14, v32  }
0xae: {  	vm7 =	vgt.f32 v19, $5.000000000e-01;
	v19 =	vsel vm1, $0x3F800000, v0;
	vm1 =	vnez.u8 v1;
	v1 =	vld [tilespmem:$0x1FCE0]  }
0xaf: {  	[tilespmem:$0x1FD00] =	vst v13;
	v13 =	vld [tilespmem:$0x1FD10]  }
0xb0: {  	v34 =	vsel vm9, $0x3F800000, v0;
	vm9 =	vgt.f32 v15, $5.000000000e-01;
	v15 =	vld [tilespmem:$0x1FD30];
	_ =	sdelay $0x2  }
0xb1: {  	v27 =	vsel vm1, $0x3F800000, v0;
	vm1 =	vnez.u8 v1  }
0xb2: {  	v1 =	vsel vm1, $0x3F800000, v0;
	vm1 =	vnez.u8 v13  }
0xb3: {  	v60 =	vsel vm1, $0x3F800000, v0;
	vm1 =	vgt.f32 v14, $5.000000000e-01;
	v14 =	vsub.f32 v15, v33  }
0xb4: {  	v8 =	vmin.u32 v8, $0xE;
	v13 =	vimm.s32 $0x0  }
0xb5: {  	v13 =	vsel vm1, $0xFFFFFFFF, v13;
	vm1 =	vgt.f32 v15, $5.000000000e-01;
	[tilespmem:$0x1FD40] =	vst v14;
	v14 =	vimm.s32 $0x0  }
0xb6: {  	v11 =	vsel vm5, $0x3F800000, v0;
	vm5 =	vgt.f32 v23, $5.000000000e-01;
	v14 =	vsel vm1, $0xFFFFFFFF, v14  }
0xb7: {  	v23 =	vmin.u32 v41, $0xE;
	[tilespmem:$0x1FD50] =	vst v14;
	v14 =	vmin.u32 v35, $0xE;
	v35 =	vmin.u32 v47, $0xE  }
0xb8: {  	v47 =	vmin.u32 v59, $0xE;
	v59 =	vshll.u32 v23, $0x4;
	v23 =	vshll.u32 v8, $0x4;
	v8 =	vld [tilespmem:$0x1FDA0];
	_ =	sdelay $0x3  }
0xb9: {  	v4 =	vmin.u32 v4, $0xE  }
0xba: {  	v7 =	vmin.u32 v7, $0xE;
	v5 =	vsub.f32 v8, v5;
	vm1 =	vgt.f32 v8, $5.000000000e-01;
	v8 =	vld [tilespmem:$0x1FDD0]  }
0xbb: {  	v30 =	vmin.u32 v44, $0xE;
	v61 =	vsel vm4, $0x3F800000, v0;
	vm12 =	vgt.f32 v21, $5.000000000e-01  }
0xbc: {  	vm4 =	vgt.f32 v24, $5.000000000e-01;
	v24 =	vmin.u32 v42, $0xE;
	v31 =	vmin.u32 v45, $0xE  }
0xbd: {  	v42 =	vmin.u32 v54, $0xE;
	v17 =	vsel vm11, $0x3F800000, v0;
	vm11 =	vgt.f32 v22, $5.000000000e-01  }
0xbe: {  	v22 =	vmin.u32 v40, $0xE;
	v40 =	vmin.u32 v52, $0xE;
	[tilespmem:$0x1FD20] =	vst v13;
	v13 =	vmin.u32 v63, $0xE  }
0xbf: {  	v52 =	vshll.u32 v31, $0x4;
	v31 =	vld [tilespmem:$0x1FD60];
	v13 =	vshll.u32 v13, $0x4;
	vm2 =	vnez.u8 v8  }
0xc0: {  	v45 =	vmin.u32 v57, $0xE;
	v29 =	vmin.u32 v43, $0xE;
	v13 =	vor.u32 v20, v13;
	v8 =	vld [tilespmem:$0x1FDE0]  }
0xc1: {  	v43 =	vmin.u32 v55, $0xE;
	v55 =	vshll.u32 v4, $0x4;
	v4 =	vld [tilespmem:$0x1FD90];
	v32 =	vmin.u32 v46, $0xE  }
0xc2: {  	v57 =	vshll.u32 v7, $0x4;
	v41 =	vmin.u32 v53, $0xE;
	v53 =	vshll.u32 v32, $0x4;
	v32 =	vld [tilespmem:$0x1FD70]  }
0xc3: {  	v21 =	vmin.u32 v39, $0xE;
	[tilespmem:$0x1FC40] =	vst v9;
	v9 =	vsel vm8, $0x3F800000, v0;
	v54 =	vshll.u32 v35, $0x4;
	v35 =	vld [tilespmem:$0x1FD80]  }
0xc4: {  	vm8 =	vgt.f32 v16, $5.000000000e-01;
	v15 =	vmin.u32 v37, $0xE;
	v14 =	vshll.u32 v14, $0x4;
	[tilespmem:$0x1FDB0] =	vst v5;
	v5 =	vld [tilespmem:$0x1FDC0]  }
0xc5: {  	v16 =	vmin.u32 v38, $0xE;
	v15 =	vshll.u32 v15, $0x4;
	v7 =	vor.u32 v20, v14;
	[tilespmem:v13+s7+$0x0] =	vst.idx.add.f32.msk vm2, v8  }
0xc6: {  	v63 =	vshll.u32 v16, $0x4;
	v16 =	vshll.u32 v24, $0x4;
	[tilespmem:$0x1FDF0] =	vst v7;
	v7 =	vor.u32 v20, v15  }
0xc7: {  	v38 =	vmin.u32 v50, $0xE;
	v50 =	vshll.u32 v29, $0x4;
	[tilespmem:$0x1FE00] =	vst v7;
	v7 =	vor.u32 v20, v16  }
0xc8: {  	v39 =	vmin.u32 v51, $0xE;
	v51 =	vshll.u32 v30, $0x4;
	[tilespmem:$0x1FE30] =	vst v7;
	v7 =	vor.u32 v20, v50  }
0xc9: {  	[tilespmem:$0x1FE40] =	vst v7;
	v7 =	vor.u32 v20, v51  }
0xca: {  	[tilespmem:$0x1FE60] =	vst v7;
	v7 =	vld [tilespmem:$0x1FE80];
	_ =	sdelay $0x1  }
0xcb: {  	v29 =	vor.u32 v20, v63;
	v63 =	vld [tilespmem:$0x1FE20];
	_ =	sdelay $0x2  }
0xcc: {  	v7 =	vsub.f32 v5, v7;
	_ =	sdelay $0x1  }
0xcd: {  	[tilespmem:$0x1FE90] =	vst v7;
	v7 =	vsub.f32 v63, v61;
	_ =	sdelay $0x1  }
0xce: {  	[tilespmem:$0x1FEA0] =	vst v7;
	v7 =	vor.u32 v20, v52  }
0xcf: {  	[tilespmem:$0x1FEB0] =	vst v7;
	v7 =	vsub.f32 v31, v11;
	_ =	sdelay $0x1  }
0xd0: {  	v37 =	vmin.u32 v49, $0xE;
	v49 =	vld [tilespmem:$0x1FE10];
	[tilespmem:$0x1FEC0] =	vst v7;
	v7 =	vsub.f32 v32, v12;
	_ =	sdelay $0x1  }
0xd1: {  	v6 =	vmin.u32 v6, $0xE;
	[tilespmem:$0x1FED0] =	vst v7;
	v7 =	vor.u32 v20, v53  }
0xd2: {  	v50 =	vld [tilespmem:$0x1FE50];
	[tilespmem:$0x1FEF0] =	vst v7;
	v7 =	vsub.f32 v35, v17;
	_ =	sdelay $0x1  }
0xd3: {  	v46 =	vmin.u32 v58, $0xE;
	v58 =	vshll.u32 v6, $0x4;
	v6 =	vmovc v18;
	v18 =	vld [tilespmem:$0x1FF40];
	[tilespmem:$0x1FF00] =	vst v7;
	v7 =	vsub.f32 v49, v10;
	_ =	sdelay $0x1  }
0xd4: {  	[tilespmem:$0x1FF10] =	vst v7;
	v7 =	vor.u32 v20, v54  }
0xd5: {  	[tilespmem:$0x1FF20] =	vst v7;
	v7 =	vsub.f32 v50, v34;
	_ =	sdelay $0x1  }
0xd6: {  	v36 =	vmin.u32 v36, $0xE;
	v51 =	vld [tilespmem:$0x1FE70];
	[tilespmem:$0x1FF30] =	vst v7;
	v7 =	vsub.f32 v18, v9  }
0xd7: {  	v36 =	vshll.u32 v36, $0x4;
	v3 =	vmin.u32 v3, $0xE;
	v48 =	vmin.u32 v48, $0xE  }
0xd8: {  	v3 =	vshll.u32 v3, $0x4;
	v48 =	vshll.u32 v48, $0x4;
	[tilespmem:$0x1FF50] =	vst v7;
	v7 =	vor.u32 v20, v36  }
0xd9: {  	v2 =	vmin.u32 v2, $0xE;
	v44 =	vmin.u32 v56, $0xE;
	[tilespmem:$0x1FF60] =	vst v7;
	v7 =	vsub.f32 v4, v26  }
0xda: {  	v2 =	vshll.u32 v2, $0x4;
	v44 =	vshll.u32 v44, $0x4;
	v42 =	vshll.u32 v42, $0x4  }
0xdb: {  	v45 =	vshll.u32 v45, $0x4;
	v21 =	vshll.u32 v21, $0x4;
	[tilespmem:$0x1FF70] =	vst v7;
	v7 =	vsub.f32 v51, v62  }
0xdc: {  	v41 =	vshll.u32 v41, $0x4;
	v39 =	vshll.u32 v39, $0x4;
	v30 =	vor.u32 v20, v21  }
0xdd: {  	v22 =	vshll.u32 v22, $0x4;
	v40 =	vshll.u32 v40, $0x4;
	v38 =	vshll.u32 v38, $0x4;
	[tilespmem:$0x1FF80] =	vst v7;
	v7 =	vld [tilespmem:$0x1FFA0]  }
0xde: {  	v28 =	vor.u32 v20, v45;
	v43 =	vshll.u32 v43, $0x4;
	v46 =	vshll.u32 v46, $0x4;
	v12 =	vld [tilespmem:$0x1FEE0]  }
0xdf: {  	v33 =	vsel vm3, $0x3F800000, v0;
	v37 =	vshll.u32 v37, $0x4;
	v24 =	vor.u32 v20, v22  }
0xe0: {  	v47 =	vshll.u32 v47, $0x4;
	v25 =	vor.u32 v20, v59;
	v13 =	vor.u32 v20, v23  }
0xe1: {  	v8 =	vor.u32 v20, v57;
	v15 =	vor.u32 v20, v48;
	v26 =	vor.u32 v20, v37;
	v37 =	vld [tilespmem:$0x1FF90]  }
0xe2: {  	v16 =	vor.u32 v20, v47;
	v59 =	vsub.f32 v7, v19;
	v19 =	vmovc v7;
	v7 =	vor.u32 v20, v38;
	v38 =	vld [tilespmem:$0x1FFC0]  }
0xe3: {  	v61 =	vor.u32 v20, v43;
	v53 =	vsub.f32 v12, v1;
	v1 =	vor.u32 v20, v40  }
0xe4: {  	v11 =	vor.u32 v20, v55;
	v10 =	vor.u32 v20, v2;
	[tilespmem:$0x1FFD0] =	vst v1;
	v1 =	vor.u32 v20, v41  }
0xe5: {  	[tilespmem:$0x1FFE0] =	vst v1;
	v1 =	vor.u32 v20, v42;
	v54 =	vor.u32 v20, v44;
	v9 =	vor.u32 v20, v3  }
0xe6: {  	[tilespmem:$0x1FFF0] =	vst v1;
	v3 =	vor.u32 v20, v58;
	v56 =	vsub.f32 v37, v27;
	v27 =	vor.u32 v20, v39  }
0xe7: {  	s12 =	simm.s32 $0x300;
	s11 =	simm.s32 $0x0;
	[tilespmem:$0x1FFB0] =	vst v7;
	v7 =	vsub.f32 v6, v33;
	v52 =	vsub.f32 v38, v60;
	v60 =	vor.u32 v20, v46  }
.LBB2_2:
0xe8: {  	[tilespmem:$0x1F4E0] =	vst v25  }
0xe9: {  	[tilespmem:$0x1F5F0] =	vst v11  }
0xea: {  	[tilespmem:$0x1F5E0] =	vst v59  }
0xeb: {  	[tilespmem:$0x1F650] =	vst v9;
	vm2 =	vgt.f32 v5, $5.000000000e-01;
	v1 =	vimm.s32 $0x0  }
0xec: {  	[tilespmem:$0x1F550] =	vst v61;
	v1 =	vsel vm2, $0xFFFFFFFF, v1  }
0xed: {  	vm2 =	vgt.f32 v63, $5.000000000e-01;
	[tilespmem:$0x1F510] =	vst v1;
	v1 =	vimm.s32 $0x0  }
0xee: {  	[tilespmem:$0x1F680] =	vst v8;
	v1 =	vsel vm2, $0xFFFFFFFF, v1  }
0xef: {  	vm2 =	vgt.f32 v31, $5.000000000e-01;
	[tilespmem:$0x1F520] =	vst v1;
	v1 =	vimm.s32 $0x0  }
0xf0: {  	[tilespmem:$0x1F570] =	vst v54;
	v1 =	vsel vm2, $0xFFFFFFFF, v1  }
0xf1: {  	vm2 =	vgt.f32 v32, $5.000000000e-01;
	[tilespmem:$0x1F530] =	vst v1;
	v1 =	vimm.s32 $0x0  }
0xf2: {  	[tilespmem:$0x1F610] =	vst v56;
	v1 =	vsel vm2, $0xFFFFFFFF, v1  }
0xf3: {  	vm2 =	vgt.f32 v35, $5.000000000e-01;
	[tilespmem:$0x1F540] =	vst v1;
	v1 =	vimm.s32 $0x0  }
0xf4: {  	[tilespmem:$0x1F6B0] =	vst v7;
	v1 =	vsel vm2, $0xFFFFFFFF, v1  }
0xf5: {  	v14 =	vld [tilespmem:s12+$0x90];
	vm2 =	vgt.f32 v49, $5.000000000e-01;
	[tilespmem:$0x1F560] =	vst v1;
	v1 =	vimm.s32 $0x0  }
0xf6: {  	[tilespmem:$0x1F640] =	vst v53;
	v1 =	vsel vm2, $0xFFFFFFFF, v1  }
0xf7: {  	v22 =	vld [tilespmem:s12+$0xA0];
	vm2 =	vgt.f32 v50, $5.000000000e-01;
	[tilespmem:$0x1F580] =	vst v1;
	v1 =	vimm.s32 $0x0  }
0xf8: {  	v34 =	vld [tilespmem:s12+$0xFFFFFF10];
	[tilespmem:$0x1F670] =	vst v52;
	v1 =	vsel vm2, $0xFFFFFFFF, v1  }
0xf9: {  	vm2 =	vgt.f32 v18, $5.000000000e-01;
	[tilespmem:$0x1F590] =	vst v1;
	v1 =	vimm.s32 $0x0  }
0xfa: {  	v53 =	vld [tilespmem:s12+$0xFFFFFFF0];
	[tilespmem:$0x1F7D0] =	vst v14;
	v1 =	vsel vm2, $0xFFFFFFFF, v1  }
0xfb: {  	v55 =	vld [tilespmem:s12+$0x20];
	vm2 =	vgt.f32 v4, $5.000000000e-01;
	[tilespmem:$0x1F5A0] =	vst v1;
	v1 =	vimm.s32 $0x0  }
0xfc: {  	[tilespmem:$0x1F7E0] =	vst v22;
	v1 =	vsel vm2, $0xFFFFFFFF, v1  }
0xfd: {  	v36 =	vld [tilespmem:s12+$0xFFFFFF20];
	v2 =	vand.u32 $0x7FFFFFFF, v34;
	vm2 =	vgt.f32 v51, $5.000000000e-01;
	[tilespmem:$0x1F5B0] =	vst v1;
	v1 =	vimm.s32 $0x0  }
0xfe: {  	v56 =	vld [tilespmem:s12+$0x30];
	[tilespmem:$0x1F9C0] =	vst v2;
	v1 =	vsel vm2, $0xFFFFFFFF, v1  }
0xff: {  	v43 =	vld [tilespmem:s12+$0xFFFFFF30];
	v7 =	vand.u32 $0x7FFFFFFF, v53;
	vm2 =	vgt.f32 v19, $5.000000000e-01;
	[tilespmem:$0x1F5C0] =	vst v1;
	v1 =	vimm.s32 $0x0  }
0x100: {  	v33 =	vld [tilespmem:s12+$0xF0];
	v9 =	vand.u32 $0x7FFFFFFF, v55;
	[tilespmem:$0x1FAA0] =	vst v7;
	v1 =	vsel vm2, $0xFFFFFFFF, v1  }
0x101: {  	v62 =	vadd.f32 $-5.000000000e-01, v2;
	vm2 =	vgt.f32 v37, $5.000000000e-01;
	[tilespmem:$0x1F5D0] =	vst v1;
	v1 =	vimm.s32 $0x0  }
0x102: {  	v48 =	vld [tilespmem:s12+$0xFFFFFF40];
	v2 =	vand.u32 $0x7FFFFFFF, v36;
	[tilespmem:$0x1FD60] =	vst v9;
	v59 =	vadd.f32 $-5.000000000e-01, v9;
	v1 =	vsel vm2, $0xFFFFFFFF, v1  }
0x103: {  	v9 =	vand.u32 $0x7FFFFFFF, v56;
	vm2 =	vgt.f32 v12, $5.000000000e-01;
	[tilespmem:$0x1F600] =	vst v1;
	v1 =	vimm.s32 $0x0  }
0x104: {  	[tilespmem:$0x1F9D0] =	vst v2;
	v63 =	vadd.f32 $-5.000000000e-01, v2;
	v2 =	vand.u32 $0x7FFFFFFF, v43;
	v49 =	vld [tilespmem:s12+$0xFFFFFF50];
	v1 =	vsel vm2, $0xFFFFFFFF, v1  }
0x105: {  	v37 =	vand.u32 $0x7FFFFFFF, v33;
	vm2 =	vgt.f32 v38, $5.000000000e-01;
	[tilespmem:$0x1F630] =	vst v1;
	v1 =	vimm.s32 $0x0  }
0x106: {  	v44 =	vld [tilespmem:s12+$0xFFFFFF60];
	[tilespmem:$0x1F9E0] =	vst v2;
	v61 =	vadd.f32 $-5.000000000e-01, v37;
	v38 =	vadd.f32 $-5.000000000e-01, v2;
	v1 =	vsel vm2, $0xFFFFFFFF, v1  }
0x107: {  	v2 =	vand.u32 $0x7FFFFFFF, v48;
	vm2 =	vgt.f32 v6, $5.000000000e-01;
	[tilespmem:$0x1F660] =	vst v1;
	v1 =	vimm.s32 $0x0  }
0x108: {  	v45 =	vld [tilespmem:s12+$0xFFFFFF70];
	[tilespmem:$0x1FD70] =	vst v9;
	v1 =	vsel vm2, $0xFFFFFFFF, v1;
	vm2 =	vgt.f32 v34, $0.0e+00;
	v34 =	vmul.f32 $3.000000000e+01, v61  }
0x109: {  	v25 =	vld [tilespmem:s12+$0xFFFFFF80];
	[tilespmem:$0x1F9F0] =	vst v2;
	v39 =	vadd.f32 $-5.000000000e-01, v2;
	v2 =	vand.u32 $0x7FFFFFFF, v49  }
0x10a: {  	v35 =	vadd.f32 $-5.000000000e-01, v2;
	[tilespmem:$0x1F690] =	vst v1;
	v1 =	vimm.s32 $0x0;
	v34 =	vtrunc.f32 v34  }
0x10b: {  	v46 =	vld [tilespmem:s12+$0xFFFFFF90];
	[tilespmem:$0x1FA00] =	vst v2;
	v2 =	vand.u32 $0x7FFFFFFF, v44;
	v1 =	vsel vm2, $0xFFFFFFFF, v1;
	v34 =	vcvt.f32.s32 v34  }
0x10c: {  	vm2 =	vgt.f32 v36, $0.0e+00;
	v36 =	vadd.f32 $-5.000000000e-01, v2;
	[tilespmem:$0x1F840] =	vst v1;
	v1 =	vimm.s32 $0x0  }
0x10d: {  	v41 =	vld [tilespmem:s12+$0xFFFFFFA0];
	[tilespmem:$0x1FA10] =	vst v2;
	v2 =	vand.u32 $0x7FFFFFFF, v45;
	v1 =	vsel vm2, $0xFFFFFFFF, v1;
	vm2 =	vgt.s32 v34, $0x0  }
0x10e: {  	v51 =	vld [tilespmem:s12+$0xFFFFFFD0];
	[tilespmem:$0x1FA20] =	vst v2;
	v61 =	vadd.f32 $-5.000000000e-01, v2;
	v2 =	vand.u32 $0x7FFFFFFF, v25;
	v34 =	vnsel vm2, $0x0, v34  }
0x10f: {  	v52 =	vld [tilespmem:s12+$0xFFFFFFE0];
	[tilespmem:$0x1F850] =	vst v1;
	v1 =	vmul.f32 $3.000000000e+01, v62;
	v62 =	vadd.f32 $-5.000000000e-01, v2;
	v34 =	vmin.u32 v34, $0xE  }
0x110: {  	[tilespmem:$0x1FA30] =	vst v2;
	v2 =	vand.u32 $0x7FFFFFFF, v46;
	vm2 =	vgt.f32 v37, $5.000000000e-01;
	v34 =	vshll.u32 v34, $0x4  }
0x111: {  	v47 =	vld [tilespmem:s12+$0x0];
	vm3 =	vgt.f32 v33, $0.0e+00;
	[tilespmem:$0x1FA40] =	vst v2;
	v34 =	vor.u32 v20, v34  }
0x112: {  	v54 =	vld [tilespmem:s12+$0x10];
	[tilespmem:$0x1F4F0] =	vst v1;
	v1 =	vmul.f32 $3.000000000e+01, v63;
	v63 =	vadd.f32 $-5.000000000e-01, v2;
	v2 =	vand.u32 $0x7FFFFFFF, v41  }
0x113: {  	v57 =	vld [tilespmem:s12+$0x40];
	v33 =	vsel vm3, $0x3F800000, v0;
	v5 =	vand.u32 $0x7FFFFFFF, v51;
	[tilespmem:$0x1FA50] =	vst v2;
	v2 =	vadd.f32 $-5.000000000e-01, v2  }
0x114: {  	v40 =	vld [tilespmem:s12+$0x60];
	v33 =	vsub.f32 v37, v33;
	[tilespmem:$0x1FA80] =	vst v5;
	v6 =	vand.u32 $0x7FFFFFFF, v52  }
0x115: {  	[tilespmem:$0x1FA90] =	vst v6;
	v19 =	vmul.f32 $3.000000000e+01, v2;
	v2 =	vld [tilespmem:s12+$0xB0]  }
0x116: {  	[tilespmem:v34+s7+$0x0] =	vst.idx.add.f32.msk vm2, v33  }
0x117: {  	v37 =	vadd.f32 $-5.000000000e-01, v6;
	[tilespmem:$0x1F500] =	vst v1;
	v1 =	vand.u32 $0x7FFFFFFF, v47;
	v34 =	vld [tilespmem:s12+$0x70]  }
0x118: {  	v12 =	vld [tilespmem:s12+$0x80];
	v6 =	vadd.f32 $-5.000000000e-01, v7;
	[tilespmem:$0x1FDC0] =	vst v1;
	v7 =	vadd.f32 $-5.000000000e-01, v1;
	v1 =	vand.u32 $0x7FFFFFFF, v54  }
0x119: {  	v5 =	vadd.f32 $-5.000000000e-01, v5;
	[tilespmem:$0x1FE20] =	vst v1;
	v8 =	vadd.f32 $-5.000000000e-01, v1;
	v1 =	vand.u32 $0x7FFFFFFF, v57  }
0x11a: {  	v17 =	vadd.f32 $-5.000000000e-01, v9;
	[tilespmem:$0x1FD80] =	vst v1;
	v9 =	vadd.f32 $-5.000000000e-01, v1;
	v1 =	vand.u32 $0x7FFFFFFF, v40  }
0x11b: {  	v18 =	vmul.f32 $3.000000000e+01, v63;
	[tilespmem:$0x1FE50] =	vst v1  }
0x11c: {  	v63 =	vmovc v60;
	v60 =	vmul.f32 $3.000000000e+01, v5;
	v11 =	vadd.f32 $-5.000000000e-01, v1;
	[tilespmem:$0x1F7F0] =	vst v2;
	v1 =	vand.u32 $0x7FFFFFFF, v34  }
0x11d: {  	v5 =	vmovc v15;
	v15 =	vand.u32 $0x7FFFFFFF, v2;
	v2 =	vld [tilespmem:$0x1FDF0];
	[tilespmem:$0x1FF40] =	vst v1;
	v20 =	vadd.f32 $-5.000000000e-01, v1;
	v1 =	vand.u32 $0x7FFFFFFF, v12  }
0x11e: {  	[tilespmem:$0x1FD90] =	vst v1;
	v21 =	vadd.f32 $-5.000000000e-01, v1;
	v1 =	vand.u32 $0x7FFFFFFF, v14  }
0x11f: {  	[tilespmem:$0x1FE70] =	vst v1;
	v14 =	vadd.f32 $-5.000000000e-01, v1;
	v1 =	vand.u32 $0x7FFFFFFF, v22  }
0x120: {  	[tilespmem:$0x1FFA0] =	vst v1;
	v22 =	vadd.f32 $-5.000000000e-01, v1;
	v1 =	vld [tilespmem:$0x1FBB0];
	_ =	sdelay $0x3  }
0x121: {  	[tilespmem:$0x1F7B0] =	vst v12;
	v12 =	vmul.f32 $3.000000000e+01, v37;
	v37 =	vmov v13;
	v13 =	vld [tilespmem:s12+$0xFFFFFF00]  }
0x122: {  	[tilespmem:v2+s7+$0x0] =	vst.idx.add.f32.msk vm15, v1  }
0x123: {  	v2 =	vld [tilespmem:$0x1FE00];
	_ =	sdelay $0x1  }
0x124: {  	v23 =	vld [tilespmem:s12+$0xC0]  }
0x125: {  	[tilespmem:$0x1FF90] =	vst v15;
	v32 =	vadd.f32 $-5.000000000e-01, v15;
	v15 =	vld [tilespmem:$0x1FBD0];
	_ =	sdelay $0x4  }
0x126: {  	v1 =	vand.u32 $0x7FFFFFFF, v23;
	[tilespmem:v2+s7+$0x0] =	vst.idx.add.f32.msk vm0, v15  }
0x127: {  	[tilespmem:$0x1FEE0] =	vst v1;
	v2 =	vmov v16;
	v16 =	vmul.f32 $3.000000000e+01, v59;
	v59 =	vadd.f32 $-5.000000000e-01, v1;
	v1 =	vld [tilespmem:$0x1FBF0];
	_ =	sdelay $0x4  }
0x128: {  	[tilespmem:v29+s7+$0x0] =	vst.idx.add.f32.msk vm14, v1  }
0x129: {  	v1 =	vld [tilespmem:$0x1FC10];
	_ =	sdelay $0x1  }
0x12a: {  	v31 =	vld [tilespmem:s12+$0xD0];
	_ =	sdelay $0x2  }
0x12b: {  	[tilespmem:v30+s7+$0x0] =	vst.idx.add.f32.msk vm13, v1  }
0x12c: {  	v1 =	vld [tilespmem:$0x1FC20]  }
0x12d: {  	[tilespmem:$0x1F800] =	vst v23;
	v23 =	vand.u32 $0x7FFFFFFF, v31  }
0x12e: {  	[tilespmem:$0x1FFC0] =	vst v23;
	v15 =	vmul.f32 $3.000000000e+01, v17;
	v17 =	vadd.f32 $-5.000000000e-01, v23;
	v23 =	vand.u32 $0x7FFFFFFF, v13  }
0x12f: {  	[tilespmem:$0x1F9B0] =	vst v23;
	v30 =	vadd.f32 $-5.000000000e-01, v23;
	v23 =	vld [tilespmem:$0x1F4E0];
	_ =	sdelay $0x1  }
0x130: {  	[tilespmem:v24+s7+$0x0] =	vst.idx.add.f32.msk vm12, v1  }
0x131: {  	v1 =	vld [tilespmem:$0x1FC30];
	_ =	sdelay $0x3  }
0x132: {  	vm0 =	vgt.f32 v13, $0.0e+00;
	v13 =	vmul.f32 $3.000000000e+01, v20;
	v20 =	vmul.f32 $3.000000000e+01, v21;
	v21 =	vld [tilespmem:$0x1FE30]  }
0x133: {  	[tilespmem:v23+s7+$0x0] =	vst.idx.add.f32.msk vm11, v1;
	v1 =	vimm.s32 $0x0  }
0x134: {  	v1 =	vsel vm0, $0xFFFFFFFF, v1  }
0x135: {  	[tilespmem:$0x1F830] =	vst v1;
	v1 =	vld [tilespmem:$0x1FC40];
	_ =	sdelay $0x3  }
0x136: {  	v23 =	vld [tilespmem:$0x1FE40]  }
0x137: {  	vm0 =	vgt.f32 v43, $0.0e+00;
	[tilespmem:v21+s7+$0x0] =	vst.idx.add.f32.msk vm10, v1;
	v1 =	vimm.s32 $0x0  }
0x138: {  	v1 =	vsel vm0, $0xFFFFFFFF, v1  }
0x139: {  	[tilespmem:$0x1F860] =	vst v1;
	v1 =	vld [tilespmem:$0x1FC50];
	_ =	sdelay $0x4  }
0x13a: {  	[tilespmem:v23+s7+$0x0] =	vst.idx.add.f32.msk vm9, v1  }
0x13b: {  	v23 =	vld [tilespmem:$0x1FE60]  }
0x13c: {  	vm0 =	vgt.f32 v48, $0.0e+00;
	v1 =	vimm.s32 $0x0  }
0x13d: {  	v1 =	vsel vm0, $0xFFFFFFFF, v1  }
0x13e: {  	[tilespmem:$0x1F870] =	vst v1;
	v1 =	vld [tilespmem:$0x1FC60];
	_ =	sdelay $0x4  }
0x13f: {  	[tilespmem:v23+s7+$0x0] =	vst.idx.add.f32.msk vm8, v1  }
0x140: {  	v23 =	vld [tilespmem:$0x1FEB0]  }
0x141: {  	vm0 =	vgt.f32 v49, $0.0e+00;
	v1 =	vimm.s32 $0x0  }
0x142: {  	v1 =	vsel vm0, $0xFFFFFFFF, v1  }
0x143: {  	[tilespmem:$0x1F880] =	vst v1;
	v1 =	vld [tilespmem:$0x1FC70];
	_ =	sdelay $0x4  }
0x144: {  	[tilespmem:v23+s7+$0x0] =	vst.idx.add.f32.msk vm7, v1  }
0x145: {  	v23 =	vld [tilespmem:$0x1FEF0]  }
0x146: {  	v42 =	vld [tilespmem:s12+$0xFFFFFFB0];
	vm0 =	vgt.f32 v44, $0.0e+00;
	v1 =	vimm.s32 $0x0  }
0x147: {  	v1 =	vsel vm0, $0xFFFFFFFF, v1  }
0x148: {  	[tilespmem:$0x1F890] =	vst v1;
	v1 =	vld [tilespmem:$0x1FC90];
	_ =	sdelay $0x2  }
0x149: {  	[tilespmem:$0x1F6A0] =	vst v3;
	v3 =	vand.u32 $0x7FFFFFFF, v42  }
0x14a: {  	[tilespmem:$0x1FA60] =	vst v3  }
0x14b: {  	v3 =	vadd.f32 $-5.000000000e-01, v3;
	[tilespmem:v23+s7+$0x0] =	vst.idx.add.f32.msk vm6, v1  }
0x14c: {  	v1 =	vld [tilespmem:$0x1F4F0];
	_ =	sdelay $0x2  }
0x14d: {  	v33 =	vmul.f32 $3.000000000e+01, v3;
	v3 =	vmov v27;
	v27 =	vmov v26;
	v26 =	vld [tilespmem:s12+$0xE0];
	_ =	sdelay $0x1  }
0x14e: {  	v23 =	vtrunc.f32 v1;
	v1 =	vld [tilespmem:$0x1F500];
	_ =	sdelay $0x2  }
0x14f: {  	[tilespmem:$0x1F810] =	vst v31;
	v29 =	vand.u32 $0x7FFFFFFF, v26  }
0x150: {  	[tilespmem:$0x1FAE0] =	vst v29;
	v31 =	vadd.f32 $-5.000000000e-01, v29;
	v29 =	vmul.f32 $3.000000000e+01, v32;
	v24 =	vld [tilespmem:$0x1FF20]  }
0x151: {  	vm0 =	vgt.f32 v45, $0.0e+00;
	v32 =	vtrunc.f32 v1;
	v1 =	vimm.s32 $0x0  }
0x152: {  	v1 =	vsel vm0, $0xFFFFFFFF, v1  }
0x153: {  	[tilespmem:$0x1F8A0] =	vst v1;
	v1 =	vld [tilespmem:$0x1FCB0];
	_ =	sdelay $0x3  }
0x154: {  	vm0 =	vgt.f32 v25, $0.0e+00;
	v25 =	vld [tilespmem:$0x1FF60]  }
0x155: {  	[tilespmem:v24+s7+$0x0] =	vst.idx.add.f32.msk vm5, v1;
	v1 =	vimm.s32 $0x0  }
0x156: {  	v1 =	vsel vm0, $0xFFFFFFFF, v1  }
0x157: {  	[tilespmem:$0x1F8B0] =	vst v1;
	v1 =	vld [tilespmem:$0x1FCD0];
	_ =	sdelay $0x3  }
0x158: {  	v50 =	vld [tilespmem:s12+$0xFFFFFFC0]  }
0x159: {  	vm0 =	vgt.f32 v46, $0.0e+00;
	[tilespmem:v25+s7+$0x0] =	vst.idx.add.f32.msk vm4, v1;
	v1 =	vimm.s32 $0x0  }
0x15a: {  	v1 =	vsel vm0, $0xFFFFFFFF, v1  }
0x15b: {  	[tilespmem:$0x1F8C0] =	vst v1;
	v1 =	vld [tilespmem:$0x1FD20];
	_ =	sdelay $0x4  }
0x15c: {  	vm0 =	vnez.u8 v1  }
0x15d: {  	v1 =	vld [tilespmem:$0x1FD00];
	_ =	sdelay $0x4  }
0x15e: {  	[tilespmem:v27+s7+$0x0] =	vst.idx.add.f32.msk vm0, v1  }
0x15f: {  	v27 =	vld [tilespmem:$0x1FD50];
	_ =	sdelay $0x2  }
0x160: {  	v44 =	vld [tilespmem:$0x1FFB0]  }
0x161: {  	vm0 =	vgt.f32 v41, $0.0e+00;
	v1 =	vimm.s32 $0x0  }
0x162: {  	v1 =	vsel vm0, $0xFFFFFFFF, v1;
	vm0 =	vnez.u8 v27  }
0x163: {  	[tilespmem:$0x1F8D0] =	vst v1;
	v1 =	vld [tilespmem:$0x1FD40];
	_ =	sdelay $0x4  }
0x164: {  	[tilespmem:v44+s7+$0x0] =	vst.idx.add.f32.msk vm0, v1;
	vm0 =	vgt.f32 v42, $0.0e+00;
	v1 =	vimm.s32 $0x0  }
0x165: {  	v1 =	vsel vm0, $0xFFFFFFFF, v1  }
0x166: {  	[tilespmem:$0x1F8E0] =	vst v1;
	v1 =	vld [tilespmem:$0x1FDB0]  }
0x167: {  	v45 =	vld [tilespmem:$0x1F510];
	_ =	sdelay $0x2  }
0x168: {  	v27 =	vld [tilespmem:$0x1FFD0]  }
0x169: {  	vm0 =	vgt.f32 v50, $0.0e+00;
	[tilespmem:v3+s7+$0x0] =	vst.idx.add.f32.msk vm1, v1;
	v1 =	vimm.s32 $0x0  }
0x16a: {  	v1 =	vsel vm0, $0xFFFFFFFF, v1;
	vm0 =	vnez.u8 v45  }
0x16b: {  	[tilespmem:$0x1F8F0] =	vst v1;
	v1 =	vld [tilespmem:$0x1FE90]  }
0x16c: {  	v48 =	vld [tilespmem:$0x1F520];
	_ =	sdelay $0x2  }
0x16d: {  	v46 =	vld [tilespmem:$0x1FFE0]  }
0x16e: {  	[tilespmem:v27+s7+$0x0] =	vst.idx.add.f32.msk vm0, v1;
	vm0 =	vgt.f32 v51, $0.0e+00;
	v1 =	vimm.s32 $0x0  }
0x16f: {  	v1 =	vsel vm0, $0xFFFFFFFF, v1;
	vm0 =	vnez.u8 v48  }
0x170: {  	[tilespmem:$0x1F900] =	vst v1;
	v1 =	vld [tilespmem:$0x1FEA0]  }
0x171: {  	v4 =	vand.u32 $0x7FFFFFFF, v50;
	v50 =	vld [tilespmem:$0x1F530];
	_ =	sdelay $0x2  }
0x172: {  	v49 =	vld [tilespmem:$0x1FFF0]  }
0x173: {  	[tilespmem:v46+s7+$0x0] =	vst.idx.add.f32.msk vm0, v1;
	vm0 =	vgt.f32 v52, $0.0e+00;
	v1 =	vimm.s32 $0x0  }
0x174: {  	v1 =	vsel vm0, $0xFFFFFFFF, v1;
	vm0 =	vnez.u8 v50  }
0x175: {  	[tilespmem:$0x1F910] =	vst v1;
	v1 =	vld [tilespmem:$0x1FEC0]  }
0x176: {  	v51 =	vld [tilespmem:$0x1F540];
	_ =	sdelay $0x2  }
0x177: {  	v52 =	vld [tilespmem:$0x1F550]  }
0x178: {  	[tilespmem:v49+s7+$0x0] =	vst.idx.add.f32.msk vm0, v1;
	vm0 =	vgt.f32 v53, $0.0e+00;
	v1 =	vimm.s32 $0x0  }
0x179: {  	v1 =	vsel vm0, $0xFFFFFFFF, v1;
	vm0 =	vnez.u8 v51  }
0x17a: {  	[tilespmem:$0x1F920] =	vst v1;
	v1 =	vld [tilespmem:$0x1FED0]  }
0x17b: {  	v53 =	vld [tilespmem:$0x1F560];
	_ =	sdelay $0x2  }
0x17c: {  	v21 =	vmul.f32 $3.000000000e+01, v30;
	v30 =	vmul.f32 $3.000000000e+01, v59;
	v59 =	vld [tilespmem:$0x1F570]  }
0x17d: {  	[tilespmem:v52+s7+$0x0] =	vst.idx.add.f32.msk vm0, v1;
	vm0 =	vgt.f32 v47, $0.0e+00;
	v1 =	vimm.s32 $0x0  }
0x17e: {  	v1 =	vsel vm0, $0xFFFFFFFF, v1;
	vm0 =	vnez.u8 v53  }
0x17f: {  	[tilespmem:$0x1F930] =	vst v1;
	v1 =	vld [tilespmem:$0x1FF00]  }
0x180: {  	v27 =	vtrunc.f32 v60;
	v60 =	vld [tilespmem:$0x1F580];
	_ =	sdelay $0x3  }
0x181: {  	[tilespmem:v59+s7+$0x0] =	vst.idx.add.f32.msk vm0, v1;
	vm0 =	vgt.f32 v54, $0.0e+00;
	v1 =	vimm.s32 $0x0  }
0x182: {  	v1 =	vsel vm0, $0xFFFFFFFF, v1;
	vm0 =	vnez.u8 v60  }
0x183: {  	[tilespmem:$0x1F940] =	vst v1;
	v1 =	vld [tilespmem:$0x1FF10];
	_ =	sdelay $0x3  }
0x184: {  	v58 =	vld [tilespmem:s12+$0x50]  }
0x185: {  	[tilespmem:v28+s7+$0x0] =	vst.idx.add.f32.msk vm0, v1  }
0x186: {  	v28 =	vld [tilespmem:$0x1F590];
	_ =	sdelay $0x3  }
0x187: {  	vm0 =	vgt.f32 v55, $0.0e+00;
	v1 =	vimm.s32 $0x0  }
0x188: {  	v1 =	vsel vm0, $0xFFFFFFFF, v1;
	vm0 =	vnez.u8 v28  }
0x189: {  	[tilespmem:$0x1F950] =	vst v1;
	v1 =	vld [tilespmem:$0x1FF30]  }
0x18a: {  	v28 =	vld [tilespmem:$0x1F5A0];
	_ =	sdelay $0x3  }
0x18b: {  	[tilespmem:v63+s7+$0x0] =	vst.idx.add.f32.msk vm0, v1;
	vm0 =	vgt.f32 v56, $0.0e+00;
	v1 =	vimm.s32 $0x0  }
0x18c: {  	v1 =	vsel vm0, $0xFFFFFFFF, v1;
	vm0 =	vnez.u8 v28  }
0x18d: {  	[tilespmem:$0x1F960] =	vst v1;
	v1 =	vld [tilespmem:$0x1FF50];
	_ =	sdelay $0x4  }
0x18e: {  	[tilespmem:v2+s7+$0x0] =	vst.idx.add.f32.msk vm0, v1  }
0x18f: {  	v2 =	vld [tilespmem:$0x1F5B0];
	_ =	sdelay $0x3  }
0x190: {  	vm0 =	vgt.f32 v57, $0.0e+00;
	v1 =	vimm.s32 $0x0  }
0x191: {  	v1 =	vsel vm0, $0xFFFFFFFF, v1;
	vm0 =	vnez.u8 v2  }
0x192: {  	[tilespmem:$0x1F970] =	vst v1;
	v1 =	vld [tilespmem:$0x1FF70]  }
0x193: {  	v2 =	vld [tilespmem:$0x1F5C0];
	_ =	sdelay $0x3  }
0x194: {  	[tilespmem:v5+s7+$0x0] =	vst.idx.add.f32.msk vm0, v1;
	vm0 =	vgt.f32 v58, $0.0e+00;
	v1 =	vimm.s32 $0x0  }
0x195: {  	v1 =	vsel vm0, $0xFFFFFFFF, v1;
	vm0 =	vnez.u8 v2  }
0x196: {  	[tilespmem:$0x1F980] =	vst v1;
	v1 =	vld [tilespmem:$0x1FF80];
	_ =	sdelay $0x4  }
0x197: {  	[tilespmem:v37+s7+$0x0] =	vst.idx.add.f32.msk vm0, v1;
	vm0 =	vgt.f32 v40, $0.0e+00;
	v1 =	vimm.s32 $0x0  }
0x198: {  	v1 =	vsel vm0, $0xFFFFFFFF, v1  }
0x199: {  	[tilespmem:$0x1F990] =	vst v1;
	v1 =	vld [tilespmem:$0x1F5D0];
	_ =	sdelay $0x2  }
0x19a: {  	v2 =	vld [tilespmem:$0x1F5F0];
	_ =	sdelay $0x1  }
0x19b: {  	vm0 =	vnez.u8 v1  }
0x19c: {  	v1 =	vld [tilespmem:$0x1F5E0];
	_ =	sdelay $0x4  }
0x19d: {  	[tilespmem:v2+s7+$0x0] =	vst.idx.add.f32.msk vm0, v1;
	vm0 =	vgt.f32 v34, $0.0e+00;
	v1 =	vimm.s32 $0x0  }
0x19e: {  	v1 =	vsel vm0, $0xFFFFFFFF, v1  }
0x19f: {  	[tilespmem:$0x1F9A0] =	vst v1;
	v1 =	vld [tilespmem:$0x1F600];
	_ =	sdelay $0x1  }
0x1a0: {  	[tilespmem:$0x1F620] =	vst v10  }
0x1a1: {  	v2 =	vld [tilespmem:$0x1F620];
	_ =	sdelay $0x1  }
0x1a2: {  	vm0 =	vnez.u8 v1  }
0x1a3: {  	v1 =	vld [tilespmem:$0x1F610];
	_ =	sdelay $0x1  }
0x1a4: {  	v21 =	vtrunc.f32 v21  }
0x1a5: {  	v21 =	vcvt.f32.s32 v21;
	_ =	sdelay $0x1  }
0x1a6: {  	[tilespmem:v2+s7+$0x0] =	vst.idx.add.f32.msk vm0, v1;
	vm0 =	vgt.s32 v21, $0x0;
	v1 =	vimm.s32 $0x0  }
0x1a7: {  	v1 =	vsel vm0, $0xFFFFFFFF, v1  }
0x1a8: {  	[tilespmem:$0x1F6C0] =	vst v1;
	v1 =	vld [tilespmem:$0x1F630];
	_ =	sdelay $0x2  }
0x1a9: {  	v2 =	vld [tilespmem:$0x1F650];
	_ =	sdelay $0x1  }
0x1aa: {  	vm0 =	vnez.u8 v1  }
0x1ab: {  	v1 =	vld [tilespmem:$0x1F640];
	_ =	sdelay $0x2  }
0x1ac: {  	v23 =	vcvt.f32.s32 v23;
	_ =	sdelay $0x1  }
0x1ad: {  	[tilespmem:v2+s7+$0x0] =	vst.idx.add.f32.msk vm0, v1;
	vm0 =	vgt.s32 v23, $0x0;
	v1 =	vimm.s32 $0x0  }
0x1ae: {  	v1 =	vsel vm0, $0xFFFFFFFF, v1  }
0x1af: {  	[tilespmem:$0x1F6D0] =	vst v1;
	v1 =	vld [tilespmem:$0x1F660];
	_ =	sdelay $0x2  }
0x1b0: {  	v2 =	vld [tilespmem:$0x1F680];
	_ =	sdelay $0x1  }
0x1b1: {  	vm0 =	vnez.u8 v1  }
0x1b2: {  	v1 =	vld [tilespmem:$0x1F670]  }
0x1b3: {  	v31 =	vmul.f32 $3.000000000e+01, v31  }
0x1b4: {  	v28 =	vtrunc.f32 v29;
	v29 =	vtrunc.f32 v30  }
0x1b5: {  	v30 =	vtrunc.f32 v31;
	v31 =	vcvt.f32.s32 v32;
	_ =	sdelay $0x1  }
0x1b6: {  	[tilespmem:v2+s7+$0x0] =	vst.idx.add.f32.msk vm0, v1;
	vm0 =	vgt.s32 v31, $0x0;
	v1 =	vimm.s32 $0x0  }
0x1b7: {  	v1 =	vsel vm0, $0xFFFFFFFF, v1  }
0x1b8: {  	[tilespmem:$0x1F6E0] =	vst v1;
	v1 =	vld [tilespmem:$0x1F690];
	_ =	sdelay $0x4  }
0x1b9: {  	vm0 =	vnez.u8 v1;
	v1 =	vld [tilespmem:$0x1F6A0];
	_ =	sdelay $0x2  }
0x1ba: {  	v38 =	vmul.f32 $3.000000000e+01, v38;
	v2 =	vld [tilespmem:$0x1F6B0]  }
0x1bb: {  	v39 =	vmul.f32 $3.000000000e+01, v39;
	v35 =	vmul.f32 $3.000000000e+01, v35  }
0x1bc: {  	v61 =	vmul.f32 $3.000000000e+01, v61;
	v24 =	vtrunc.f32 v38  }
0x1bd: {  	v36 =	vmul.f32 $3.000000000e+01, v36;
	v24 =	vcvt.f32.s32 v24  }
0x1be: {  	[tilespmem:$0x1F820] =	vst v26;
	v26 =	vtrunc.f32 v61;
	v38 =	vtrunc.f32 v39  }
0x1bf: {  	v61 =	vcvt.f32.s32 v38;
	[tilespmem:v1+s7+$0x0] =	vst.idx.add.f32.msk vm0, v2;
	vm0 =	vgt.s32 v24, $0x0;
	v1 =	vimm.s32 $0x0  }
0x1c0: {  	v62 =	vmul.f32 $3.000000000e+01, v62;
	v25 =	vtrunc.f32 v35;
	v1 =	vsel vm0, $0xFFFFFFFF, v1  }
0x1c1: {  	v25 =	vcvt.f32.s32 v25;
	vm0 =	vgt.s32 v61, $0x0;
	[tilespmem:$0x1F6F0] =	vst v1;
	v1 =	vimm.s32 $0x0  }
0x1c2: {  	v43 =	vtrunc.f32 v62;
	v35 =	vtrunc.f32 v36;
	v1 =	vsel vm0, $0xFFFFFFFF, v1  }
0x1c3: {  	v62 =	vcvt.f32.s32 v35;
	vm0 =	vgt.s32 v25, $0x0;
	[tilespmem:$0x1F700] =	vst v1;
	v1 =	vimm.s32 $0x0  }
0x1c4: {  	v1 =	vsel vm0, $0xFFFFFFFF, v1  }
0x1c5: {  	v26 =	vcvt.f32.s32 v26;
	vm0 =	vgt.s32 v62, $0x0;
	[tilespmem:$0x1F710] =	vst v1;
	v1 =	vimm.s32 $0x0  }
0x1c6: {  	v1 =	vsel vm0, $0xFFFFFFFF, v1  }
0x1c7: {  	v63 =	vcvt.f32.s32 v43;
	vm0 =	vgt.s32 v26, $0x0;
	[tilespmem:$0x1F720] =	vst v1;
	v1 =	vimm.s32 $0x0  }
0x1c8: {  	v18 =	vtrunc.f32 v18;
	v1 =	vsel vm0, $0xFFFFFFFF, v1  }
0x1c9: {  	v18 =	vcvt.f32.s32 v18;
	vm0 =	vgt.s32 v63, $0x0;
	[tilespmem:$0x1F730] =	vst v1;
	v1 =	vimm.s32 $0x0  }
0x1ca: {  	[tilespmem:$0x1FA70] =	vst v4;
	v4 =	vadd.f32 $-5.000000000e-01, v4;
	v19 =	vtrunc.f32 v19;
	v1 =	vsel vm0, $0xFFFFFFFF, v1  }
0x1cb: {  	v19 =	vcvt.f32.s32 v19;
	vm0 =	vgt.s32 v18, $0x0;
	[tilespmem:$0x1F740] =	vst v1;
	v1 =	vimm.s32 $0x0  }
0x1cc: {  	v4 =	vmul.f32 $3.000000000e+01, v4;
	v3 =	vtrunc.f32 v33;
	v1 =	vsel vm0, $0xFFFFFFFF, v1  }
0x1cd: {  	v3 =	vcvt.f32.s32 v3;
	vm0 =	vgt.s32 v19, $0x0;
	[tilespmem:$0x1F750] =	vst v1;
	v1 =	vimm.s32 $0x0  }
0x1ce: {  	v4 =	vtrunc.f32 v4;
	v1 =	vsel vm0, $0xFFFFFFFF, v1  }
0x1cf: {  	v4 =	vcvt.f32.s32 v4;
	vm0 =	vgt.s32 v3, $0x0;
	[tilespmem:$0x1F760] =	vst v1;
	v1 =	vimm.s32 $0x0  }
0x1d0: {  	v8 =	vmul.f32 $3.000000000e+01, v8;
	v12 =	vtrunc.f32 v12;
	v1 =	vsel vm0, $0xFFFFFFFF, v1  }
0x1d1: {  	v12 =	vcvt.f32.s32 v12;
	vm0 =	vgt.s32 v4, $0x0;
	[tilespmem:$0x1F770] =	vst v1;
	v1 =	vimm.s32 $0x0  }
0x1d2: {  	v8 =	vtrunc.f32 v8;
	v17 =	vmul.f32 $3.000000000e+01, v17;
	v1 =	vsel vm0, $0xFFFFFFFF, v1  }
0x1d3: {  	v8 =	vcvt.f32.s32 v8;
	vm0 =	vgt.s32 v12, $0x0;
	[tilespmem:$0x1F780] =	vst v1;
	v1 =	vimm.s32 $0x0  }
0x1d4: {  	v17 =	vtrunc.f32 v17;
	v1 =	vsel vm0, $0xFFFFFFFF, v1  }
0x1d5: {  	v17 =	vcvt.f32.s32 v17;
	vm0 =	vgt.s32 v8, $0x0;
	[tilespmem:$0x1F790] =	vst v1;
	v1 =	vimm.s32 $0x0  }
0x1d6: {  	v1 =	vsel vm0, $0xFFFFFFFF, v1  }
0x1d7: {  	vm0 =	vgt.s32 v17, $0x0;
	[tilespmem:$0x1F7A0] =	vst v1;
	v1 =	vimm.s32 $0x0  }
0x1d8: {  	v1 =	vsel vm0, $0xFFFFFFFF, v1  }
0x1d9: {  	[tilespmem:$0x1F7C0] =	vst v1;
	v1 =	vld [tilespmem:$0x1F6C0];
	_ =	sdelay $0x4  }
0x1da: {  	vm0 =	vnez.u8 v1;
	v1 =	vld [tilespmem:$0x1F6D0];
	_ =	sdelay $0x4  }
0x1db: {  	v21 =	vnsel vm0, $0x0, v21;
	vm0 =	vnez.u8 v1;
	v1 =	vld [tilespmem:$0x1F6E0];
	_ =	sdelay $0x4  }
0x1dc: {  	vm11 =	vnez.u8 v1;
	v1 =	vld [tilespmem:$0x1F6F0];
	_ =	sdelay $0x4  }
0x1dd: {  	v31 =	vnsel vm11, $0x0, v31;
	vm11 =	vnez.u8 v1;
	v1 =	vld [tilespmem:$0x1F700];
	_ =	sdelay $0x4  }
0x1de: {  	v24 =	vnsel vm11, $0x0, v24;
	vm11 =	vnez.u8 v1;
	v1 =	vld [tilespmem:$0x1F710];
	_ =	sdelay $0x4  }
0x1df: {  	v32 =	vnsel vm11, $0x0, v61;
	vm11 =	vnez.u8 v1;
	v1 =	vld [tilespmem:$0x1F720];
	_ =	sdelay $0x4  }
0x1e0: {  	v25 =	vnsel vm11, $0x0, v25;
	vm11 =	vnez.u8 v1;
	v1 =	vld [tilespmem:$0x1F730];
	_ =	sdelay $0x4  }
0x1e1: {  	v33 =	vnsel vm11, $0x0, v62;
	vm11 =	vnez.u8 v1;
	v1 =	vld [tilespmem:$0x1F740];
	_ =	sdelay $0x4  }
0x1e2: {  	v26 =	vnsel vm11, $0x0, v26;
	vm11 =	vnez.u8 v1;
	v1 =	vld [tilespmem:$0x1F750];
	_ =	sdelay $0x4  }
0x1e3: {  	v34 =	vnsel vm11, $0x0, v63;
	vm11 =	vnez.u8 v1;
	v1 =	vld [tilespmem:$0x1F760];
	_ =	sdelay $0x4  }
0x1e4: {  	v18 =	vnsel vm11, $0x0, v18;
	vm11 =	vnez.u8 v1;
	v1 =	vld [tilespmem:$0x1F770];
	_ =	sdelay $0x4  }
0x1e5: {  	v19 =	vnsel vm11, $0x0, v19;
	vm11 =	vnez.u8 v1;
	v1 =	vld [tilespmem:$0x1F780];
	_ =	sdelay $0x4  }
0x1e6: {  	v3 =	vnsel vm11, $0x0, v3;
	vm11 =	vnez.u8 v1;
	v1 =	vld [tilespmem:$0x1F790];
	_ =	sdelay $0x3  }
0x1e7: {  	v7 =	vmul.f32 $3.000000000e+01, v7  }
0x1e8: {  	v4 =	vnsel vm11, $0x0, v4;
	vm11 =	vnez.u8 v1;
	v1 =	vld [tilespmem:$0x1F7A0]  }
0x1e9: {  	v7 =	vtrunc.f32 v7  }
0x1ea: {  	v7 =	vcvt.f32.s32 v7;
	_ =	sdelay $0x1  }
0x1eb: {  	vm1 =	vgt.s32 v7, $0x0  }
0x1ec: {  	v7 =	vnsel vm1, $0x0, v7;
	vm1 =	vnez.u8 v1;
	v1 =	vld [tilespmem:$0x1F7B0]  }
0x1ed: {  	v20 =	vtrunc.f32 v20  }
0x1ee: {  	v20 =	vcvt.f32.s32 v20;
	_ =	sdelay $0x1  }
0x1ef: {  	vm6 =	vgt.s32 v20, $0x0  }
0x1f0: {  	v20 =	vnsel vm6, $0x0, v20;
	vm6 =	vgt.f32 v1, $0.0e+00;
	v1 =	vld [tilespmem:$0x1F7C0];
	_ =	sdelay $0x4  }
0x1f1: {  	v8 =	vnsel vm1, $0x0, v8;
	vm1 =	vnez.u8 v1;
	v1 =	vld [tilespmem:$0x1F7D0];
	_ =	sdelay $0x1  }
0x1f2: {  	v30 =	vcvt.f32.s32 v30;
	_ =	sdelay $0x1  }
0x1f3: {  	v23 =	vnsel vm0, $0x0, v23;
	vm0 =	vgt.s32 v30, $0x0  }
0x1f4: {  	v30 =	vnsel vm0, $0x0, v30;
	vm0 =	vgt.f32 v1, $0.0e+00;
	v1 =	vld [tilespmem:$0x1F7E0]  }
0x1f5: {  	v16 =	vtrunc.f32 v16  }
0x1f6: {  	v16 =	vcvt.f32.s32 v16;
	_ =	sdelay $0x1  }
0x1f7: {  	vm2 =	vgt.s32 v16, $0x0  }
0x1f8: {  	v16 =	vnsel vm2, $0x0, v16;
	vm2 =	vgt.f32 v1, $0.0e+00;
	v1 =	vld [tilespmem:$0x1F7F0]  }
0x1f9: {  	v15 =	vtrunc.f32 v15  }
0x1fa: {  	v15 =	vcvt.f32.s32 v15;
	_ =	sdelay $0x1  }
0x1fb: {  	vm3 =	vgt.s32 v15, $0x0  }
0x1fc: {  	v15 =	vnsel vm3, $0x0, v15;
	vm3 =	vgt.f32 v1, $0.0e+00;
	v1 =	vld [tilespmem:$0x1F800]  }
0x1fd: {  	v10 =	vand.u32 $0x7FFFFFFF, v58  }
0x1fe: {  	[tilespmem:$0x1FE10] =	vst v10;
	v10 =	vadd.f32 $-5.000000000e-01, v10;
	_ =	sdelay $0x1  }
0x1ff: {  	v10 =	vmul.f32 $3.000000000e+01, v10  }
0x200: {  	v17 =	vnsel vm1, $0x0, v17;
	vm1 =	vgt.f32 v1, $0.0e+00;
	v1 =	vld [tilespmem:$0x1F810]  }
0x201: {  	v10 =	vtrunc.f32 v10  }
0x202: {  	v10 =	vcvt.f32.s32 v10;
	_ =	sdelay $0x1  }
0x203: {  	v11 =	vmul.f32 $3.000000000e+01, v11;
	vm4 =	vgt.s32 v10, $0x0  }
0x204: {  	v10 =	vnsel vm4, $0x0, v10;
	vm4 =	vgt.f32 v1, $0.0e+00;
	v1 =	vld [tilespmem:$0x1F820]  }
0x205: {  	v11 =	vtrunc.f32 v11  }
0x206: {  	v11 =	vcvt.f32.s32 v11;
	_ =	sdelay $0x1  }
0x207: {  	v14 =	vmul.f32 $3.000000000e+01, v14;
	vm5 =	vgt.s32 v11, $0x0  }
0x208: {  	v11 =	vnsel vm5, $0x0, v11;
	vm5 =	vgt.f32 v1, $0.0e+00;
	v1 =	vld [tilespmem:$0x1F830]  }
0x209: {  	v14 =	vtrunc.f32 v14  }
0x20a: {  	v14 =	vcvt.f32.s32 v14;
	_ =	sdelay $0x1  }
0x20b: {  	vm7 =	vgt.s32 v14, $0x0  }
0x20c: {  	v14 =	vnsel vm7, $0x0, v14;
	vm7 =	vnez.u8 v1;
	v1 =	vld [tilespmem:$0x1F840];
	_ =	sdelay $0x3  }
0x20d: {  	v2 =	vmin.u32 v21, $0xE;
	v21 =	vmin.u32 v31, $0xE  }
0x20e: {  	v31 =	vmin.u32 v33, $0xE;
	v33 =	vsel vm7, $0x3F800000, v0;
	vm7 =	vnez.u8 v1;
	v1 =	vld [tilespmem:$0x1F850];
	_ =	sdelay $0x3  }
0x20f: {  	v5 =	vmin.u32 v23, $0xE;
	v23 =	vmin.u32 v24, $0xE;
	v24 =	vmin.u32 v32, $0xE  }
0x210: {  	v32 =	vmin.u32 v34, $0xE;
	v34 =	vsel vm7, $0x3F800000, v0;
	vm7 =	vnez.u8 v1;
	v1 =	vld [tilespmem:$0x1F860];
	_ =	sdelay $0x4  }
0x211: {  	v35 =	vsel vm7, $0x3F800000, v0;
	vm7 =	vnez.u8 v1;
	v1 =	vld [tilespmem:$0x1F870];
	_ =	sdelay $0x4  }
0x212: {  	v36 =	vsel vm7, $0x3F800000, v0;
	vm7 =	vnez.u8 v1;
	v1 =	vld [tilespmem:$0x1F880];
	_ =	sdelay $0x4  }
0x213: {  	v37 =	vsel vm7, $0x3F800000, v0;
	vm7 =	vnez.u8 v1;
	v1 =	vld [tilespmem:$0x1F890];
	_ =	sdelay $0x4  }
0x214: {  	v38 =	vsel vm7, $0x3F800000, v0;
	vm7 =	vnez.u8 v1;
	v1 =	vld [tilespmem:$0x1F8A0];
	_ =	sdelay $0x4  }
0x215: {  	v39 =	vsel vm7, $0x3F800000, v0;
	vm7 =	vnez.u8 v1;
	v1 =	vld [tilespmem:$0x1F8B0];
	_ =	sdelay $0x4  }
0x216: {  	v40 =	vsel vm7, $0x3F800000, v0;
	vm7 =	vnez.u8 v1;
	v1 =	vld [tilespmem:$0x1F8C0];
	_ =	sdelay $0x4  }
0x217: {  	v41 =	vsel vm7, $0x3F800000, v0;
	vm7 =	vnez.u8 v1;
	v1 =	vld [tilespmem:$0x1F8D0];
	_ =	sdelay $0x4  }
0x218: {  	v42 =	vsel vm7, $0x3F800000, v0;
	vm7 =	vnez.u8 v1;
	v1 =	vld [tilespmem:$0x1F8E0];
	_ =	sdelay $0x4  }
0x219: {  	v43 =	vsel vm7, $0x3F800000, v0;
	vm7 =	vnez.u8 v1;
	v1 =	vld [tilespmem:$0x1F8F0];
	_ =	sdelay $0x4  }
0x21a: {  	v44 =	vsel vm7, $0x3F800000, v0;
	vm7 =	vnez.u8 v1;
	v1 =	vld [tilespmem:$0x1F900];
	_ =	sdelay $0x4  }
0x21b: {  	v45 =	vsel vm7, $0x3F800000, v0;
	vm7 =	vnez.u8 v1;
	v1 =	vld [tilespmem:$0x1F910];
	_ =	sdelay $0x4  }
0x21c: {  	v46 =	vsel vm7, $0x3F800000, v0;
	vm7 =	vnez.u8 v1;
	v1 =	vld [tilespmem:$0x1F920];
	_ =	sdelay $0x4  }
0x21d: {  	v47 =	vsel vm7, $0x3F800000, v0;
	vm7 =	vnez.u8 v1;
	v1 =	vld [tilespmem:$0x1F930];
	_ =	sdelay $0x4  }
0x21e: {  	v49 =	vsel vm7, $0x3F800000, v0;
	vm7 =	vnez.u8 v1;
	v1 =	vld [tilespmem:$0x1F940];
	_ =	sdelay $0x4  }
0x21f: {  	v51 =	vsel vm7, $0x3F800000, v0;
	vm7 =	vnez.u8 v1;
	v1 =	vld [tilespmem:$0x1F950];
	_ =	sdelay $0x4  }
0x220: {  	v50 =	vsel vm7, $0x3F800000, v0;
	vm7 =	vnez.u8 v1;
	v1 =	vld [tilespmem:$0x1F960];
	_ =	sdelay $0x4  }
0x221: {  	v53 =	vsel vm7, $0x3F800000, v0;
	vm7 =	vnez.u8 v1;
	v1 =	vld [tilespmem:$0x1F970];
	_ =	sdelay $0x4  }
0x222: {  	v52 =	vsel vm7, $0x3F800000, v0;
	vm7 =	vnez.u8 v1;
	v1 =	vld [tilespmem:$0x1F980];
	_ =	sdelay $0x4  }
0x223: {  	v57 =	vsel vm7, $0x3F800000, v0;
	vm7 =	vnez.u8 v1;
	v1 =	vld [tilespmem:$0x1F990];
	_ =	sdelay $0x4  }
0x224: {  	v56 =	vsel vm7, $0x3F800000, v0;
	vm7 =	vnez.u8 v1;
	v1 =	vld [tilespmem:$0x1F9A0];
	_ =	sdelay $0x4  }
0x225: {  	v59 =	vsel vm7, $0x3F800000, v0;
	vm7 =	vnez.u8 v1;
	v1 =	vsel vm2, $0x3F800000, v0  }
0x226: {  	v28 =	vcvt.f32.s32 v28;
	[tilespmem:$0x1FAB0] =	vst v1;
	v1 =	vsel vm3, $0x3F800000, v0  }
0x227: {  	v61 =	vsel vm6, $0x3F800000, v0;
	v60 =	vsel vm0, $0x3F800000, v0;
	[tilespmem:$0x1FAC0] =	vst v1;
	v1 =	vsel vm1, $0x3F800000, v0  }
0x228: {  	v62 =	vsel vm4, $0x3F800000, v0;
	v58 =	vsel vm7, $0x3F800000, v0;
	v0 =	vsel vm5, $0x3F800000, v0;
	[tilespmem:$0x1FAD0] =	vst v1  }
0x229: {  	v2 =	vshll.u32 v2, $0x4;
	[tilespmem:$0x1FAF0] =	vst v0;
	v0 =	vshll.u32 v21, $0x4;
	v21 =	vlaneseq.u32;
	v1 =	vld [tilespmem:$0x1F9B0]  }
0x22a: {  	v2 =	vor.u32 v21, v2  }
0x22b: {  	vm8 =	vgt.s32 v28, $0x0;
	[tilespmem:$0x1FDF0] =	vst v2;
	v2 =	vld [tilespmem:$0x1F9C0]  }
0x22c: {  	v28 =	vnsel vm8, $0x0, v28  }
0x22d: {  	v28 =	vmin.u32 v28, $0xE  }
0x22e: {  	v48 =	vshll.u32 v28, $0x4;
	v28 =	vsub.f32 v1, v33;
	v33 =	vld [tilespmem:$0x1F9D0];
	_ =	sdelay $0x1  }
0x22f: {  	[tilespmem:$0x1FBB0] =	vst v28;
	v28 =	vsub.f32 v2, v34;
	v34 =	vld [tilespmem:$0x1F9E0];
	_ =	sdelay $0x2  }
0x230: {  	[tilespmem:$0x1FBD0] =	vst v28;
	v28 =	vsub.f32 v33, v35;
	_ =	sdelay $0x1  }
0x231: {  	v29 =	vcvt.f32.s32 v29;
	[tilespmem:$0x1FBF0] =	vst v28;
	v28 =	vsub.f32 v34, v36;
	v36 =	vld [tilespmem:$0x1F9F0];
	_ =	sdelay $0x1  }
0x232: {  	vm9 =	vgt.s32 v29, $0x0  }
0x233: {  	v29 =	vnsel vm9, $0x0, v29;
	v8 =	vmin.u32 v8, $0xE  }
0x234: {  	v29 =	vmin.u32 v29, $0xE;
	v54 =	vshll.u32 v8, $0x4  }
0x235: {  	v8 =	vshll.u32 v29, $0x4;
	v29 =	vor.u32 v21, v0;
	v0 =	vsub.f32 v36, v37;
	_ =	sdelay $0x1  }
0x236: {  	[tilespmem:$0x1FC20] =	vst v0;
	v0 =	vld [tilespmem:$0x1FA00]  }
0x237: {  	v30 =	vmin.u32 v30, $0xE;
	v23 =	vshll.u32 v23, $0x4  }
0x238: {  	v55 =	vshll.u32 v30, $0x4;
	v30 =	vor.u32 v21, v23;
	v23 =	vld [tilespmem:$0x1FA10];
	_ =	sdelay $0x2  }
0x239: {  	[tilespmem:$0x1FC10] =	vst v28;
	v28 =	vsub.f32 v0, v38;
	_ =	sdelay $0x1  }
0x23a: {  	[tilespmem:$0x1FC30] =	vst v28;
	v28 =	vsub.f32 v23, v39;
	v39 =	vld [tilespmem:$0x1FA20];
	_ =	sdelay $0x4  }
0x23b: {  	[tilespmem:$0x1FC40] =	vst v28;
	v28 =	vsub.f32 v39, v40;
	v40 =	vld [tilespmem:$0x1FA30];
	_ =	sdelay $0x4  }
0x23c: {  	[tilespmem:$0x1FC50] =	vst v28;
	v28 =	vsub.f32 v40, v41;
	v41 =	vld [tilespmem:$0x1FA40];
	_ =	sdelay $0x4  }
0x23d: {  	[tilespmem:$0x1FC60] =	vst v28;
	v28 =	vsub.f32 v41, v42;
	v42 =	vld [tilespmem:$0x1FA50];
	_ =	sdelay $0x4  }
0x23e: {  	[tilespmem:$0x1FC70] =	vst v28;
	v28 =	vsub.f32 v42, v43;
	v43 =	vld [tilespmem:$0x1FA60];
	_ =	sdelay $0x4  }
0x23f: {  	[tilespmem:$0x1FC90] =	vst v28;
	v28 =	vsub.f32 v43, v44;
	v44 =	vld [tilespmem:$0x1FA70];
	_ =	sdelay $0x2  }
0x240: {  	v31 =	vshll.u32 v31, $0x4  }
0x241: {  	[tilespmem:$0x1FCB0] =	vst v28;
	v28 =	vor.u32 v21, v31  }
0x242: {  	[tilespmem:$0x1FE30] =	vst v28;
	v28 =	vsub.f32 v44, v45;
	v45 =	vld [tilespmem:$0x1FA80];
	_ =	sdelay $0x4  }
0x243: {  	[tilespmem:$0x1FCD0] =	vst v28;
	v28 =	vsub.f32 v45, v46;
	v46 =	vld [tilespmem:$0x1FA90];
	_ =	sdelay $0x1  }
0x244: {  	v26 =	vmin.u32 v26, $0xE  }
0x245: {  	v26 =	vshll.u32 v26, $0x4  }
0x246: {  	v26 =	vor.u32 v21, v26  }
0x247: {  	[tilespmem:$0x1FE40] =	vst v26;
	v26 =	vsub.f32 v46, v47;
	v47 =	vld [tilespmem:$0x1FAA0]  }
0x248: {  	v5 =	vshll.u32 v5, $0x4  }
0x249: {  	v5 =	vor.u32 v21, v5  }
0x24a: {  	[tilespmem:$0x1FE00] =	vst v5;
	v5 =	vld [tilespmem:$0x1FDC0];
	_ =	sdelay $0x1  }
0x24b: {  	v63 =	vld [tilespmem:$0x1FE20];
	[tilespmem:$0x1FD40] =	vst v26;
	v26 =	vsub.f32 v47, v49  }
0x24c: {  	v32 =	vshll.u32 v32, $0x4  }
0x24d: {  	[tilespmem:$0x1FDB0] =	vst v26;
	v26 =	vor.u32 v21, v32  }
0x24e: {  	[tilespmem:$0x1FE60] =	vst v26;
	v26 =	vsub.f32 v5, v51  }
0x24f: {  	v18 =	vmin.u32 v18, $0xE  }
0x250: {  	v18 =	vshll.u32 v18, $0x4;
	[tilespmem:$0x1FE90] =	vst v26;
	v26 =	vsub.f32 v63, v50;
	v50 =	vld [tilespmem:$0x1FE50]  }
0x251: {  	v18 =	vor.u32 v21, v18  }
0x252: {  	v3 =	vmin.u32 v3, $0xE;
	[tilespmem:$0x1FEB0] =	vst v18;
	v18 =	vld [tilespmem:$0x1FF40]  }
0x253: {  	v6 =	vmul.f32 $3.000000000e+01, v6;
	v3 =	vshll.u32 v3, $0x4  }
0x254: {  	v9 =	vmul.f32 $3.000000000e+01, v9;
	v22 =	vmul.f32 $3.000000000e+01, v22;
	v3 =	vor.u32 v21, v3  }
0x255: {  	v6 =	vtrunc.f32 v6;
	[tilespmem:$0x1FF20] =	vst v3;
	v3 =	vsub.f32 v50, v59  }
0x256: {  	v9 =	vtrunc.f32 v9;
	v22 =	vtrunc.f32 v22  }
0x257: {  	v22 =	vcvt.f32.s32 v22;
	v4 =	vmin.u32 v4, $0xE;
	[tilespmem:$0x1FF30] =	vst v3;
	v3 =	vsub.f32 v18, v58  }
0x258: {  	v6 =	vcvt.f32.s32 v6;
	v9 =	vcvt.f32.s32 v9;
	v4 =	vshll.u32 v4, $0x4  }
0x259: {  	v13 =	vtrunc.f32 v13;
	vm14 =	vgt.s32 v22, $0x0;
	[tilespmem:$0x1FF50] =	vst v3;
	v3 =	vor.u32 v21, v4;
	v4 =	vld [tilespmem:$0x1FD90]  }
0x25a: {  	v13 =	vcvt.f32.s32 v13;
	v22 =	vnsel vm14, $0x0, v22;
	v16 =	vmin.u32 v16, $0xE  }
0x25b: {  	v15 =	vmin.u32 v15, $0xE;
	v22 =	vmin.u32 v22, $0xE;
	v16 =	vshll.u32 v16, $0x4;
	v51 =	vld [tilespmem:$0x1FE70]  }
0x25c: {  	v15 =	vshll.u32 v15, $0x4;
	vm13 =	vgt.s32 v13, $0x0;
	v19 =	vmin.u32 v19, $0xE  }
0x25d: {  	v22 =	vshll.u32 v22, $0x4;
	v13 =	vnsel vm13, $0x0, v13;
	v19 =	vshll.u32 v19, $0x4  }
0x25e: {  	vm12 =	vgt.s32 v9, $0x0;
	v19 =	vor.u32 v21, v19;
	[tilespmem:$0x1FF60] =	vst v3;
	v3 =	vsub.f32 v4, v61  }
0x25f: {  	v13 =	vmin.u32 v13, $0xE;
	v9 =	vnsel vm12, $0x0, v9;
	vm10 =	vgt.s32 v6, $0x0;
	[tilespmem:$0x1FEF0] =	vst v19  }
0x260: {  	v9 =	vmin.u32 v9, $0xE;
	v6 =	vnsel vm10, $0x0, v6;
	v19 =	vld [tilespmem:$0x1FFA0];
	[tilespmem:$0x1FF70] =	vst v3;
	v3 =	vsub.f32 v51, v60  }
0x261: {  	v13 =	vshll.u32 v13, $0x4;
	v9 =	vshll.u32 v9, $0x4;
	v6 =	vmin.u32 v6, $0xE;
	v31 =	vld [tilespmem:$0x1FD60]  }
0x262: {  	v14 =	vmin.u32 v14, $0xE;
	v20 =	vmin.u32 v20, $0xE;
	v27 =	vcvt.f32.s32 v27;
	[tilespmem:$0x1FF80] =	vst v3;
	v3 =	vld [tilespmem:$0x1FAB0]  }
0x263: {  	v6 =	vshll.u32 v6, $0x4;
	v14 =	vshll.u32 v14, $0x4;
	v20 =	vshll.u32 v20, $0x4;
	v32 =	vld [tilespmem:$0x1FD70]  }
0x264: {  	v11 =	vmin.u32 v11, $0xE;
	v10 =	vmin.u32 v10, $0xE;
	vm15 =	vgt.s32 v27, $0x0;
	v35 =	vld [tilespmem:$0x1FD80]  }
0x265: {  	v11 =	vshll.u32 v11, $0x4;
	v10 =	vshll.u32 v10, $0x4;
	v27 =	vnsel vm15, $0x0, v27;
	v37 =	vld [tilespmem:$0x1FF90]  }
0x266: {  	v7 =	vmin.u32 v7, $0xE;
	v27 =	vmin.u32 v27, $0xE;
	v49 =	vld [tilespmem:$0x1FE10];
	[tilespmem:$0x1FEA0] =	vst v26;
	v26 =	vsub.f32 v31, v53  }
0x267: {  	v7 =	vshll.u32 v7, $0x4;
	v27 =	vshll.u32 v27, $0x4;
	v59 =	vsub.f32 v19, v3;
	v3 =	vld [tilespmem:$0x1FAC0]  }
0x268: {  	v25 =	vmin.u32 v25, $0xE;
	v12 =	vnsel vm11, $0x0, v12;
	[tilespmem:$0x1FEC0] =	vst v26;
	v26 =	vsub.f32 v32, v52  }
0x269: {  	v24 =	vshll.u32 v24, $0x4;
	v25 =	vshll.u32 v25, $0x4;
	v12 =	vmin.u32 v12, $0xE  }
0x26a: {  	v12 =	vshll.u32 v12, $0x4;
	v17 =	vmin.u32 v17, $0xE;
	[tilespmem:$0x1FED0] =	vst v26;
	v26 =	vsub.f32 v35, v57  }
0x26b: {  	v17 =	vshll.u32 v17, $0x4;
	v24 =	vor.u32 v21, v24;
	v25 =	vor.u32 v21, v25  }
0x26c: {  	[tilespmem:$0x1FF00] =	vst v26;
	v26 =	vsub.f32 v49, v56;
	v56 =	vsub.f32 v37, v3;
	v3 =	vor.u32 v21, v12;
	v12 =	vld [tilespmem:$0x1FEE0]  }
0x26d: {  	vm15 =	vgt.f32 v1, $5.000000000e-01;
	v1 =	vimm.s32 $0x0;
	vm10 =	vgt.f32 v23, $5.000000000e-01;
	[tilespmem:$0x1FFB0] =	vst v3;
	v3 =	vld [tilespmem:$0x1FAD0]  }
0x26e: {  	vm0 =	vgt.f32 v2, $5.000000000e-01;
	vm14 =	vgt.f32 v33, $5.000000000e-01;
	vm13 =	vgt.f32 v34, $5.000000000e-01  }
0x26f: {  	vm12 =	vgt.f32 v36, $5.000000000e-01;
	vm11 =	vgt.f32 v0, $5.000000000e-01;
	v0 =	vimm.f32 $0.0e+00  }
0x270: {  	vm9 =	vgt.f32 v39, $5.000000000e-01;
	vm8 =	vgt.f32 v40, $5.000000000e-01;
	vm7 =	vgt.f32 v41, $5.000000000e-01  }
0x271: {  	v38 =	vld [tilespmem:$0x1FFC0];
	vm6 =	vgt.f32 v42, $5.000000000e-01;
	vm1 =	vgt.f32 v45, $5.000000000e-01;
	[tilespmem:$0x1FF10] =	vst v26;
	v26 =	vor.u32 v21, v27  }
0x272: {  	[tilespmem:$0x1FD00] =	vst v28;
	v27 =	vor.u32 v21, v6;
	v6 =	vld [tilespmem:$0x1FAE0];
	v53 =	vsub.f32 v12, v3;
	v3 =	vor.u32 v21, v7  }
0x273: {  	vm5 =	vgt.f32 v43, $5.000000000e-01;
	vm4 =	vgt.f32 v44, $5.000000000e-01;
	v1 =	vsel vm1, $0xFFFFFFFF, v1;
	[tilespmem:$0x1FFD0] =	vst v3;
	v3 =	vld [tilespmem:$0x1FAF0]  }
0x274: {  	s11 =	sadd.s32 $0x20, s11;
	v28 =	vor.u32 v21, v10;
	[tilespmem:$0x1FD20] =	vst v1;
	v1 =	vimm.s32 $0x0;
	vm1 =	vgt.f32 v46, $5.000000000e-01  }
0x275: {  	p0 =	slt.u32 s11, $0x7E0;
	v10 =	vor.u32 v21, v48;
	v1 =	vsel vm1, $0xFFFFFFFF, v1;
	vm1 =	vgt.f32 v47, $5.000000000e-01  }
.Ltmp0:
0x276: {  	v52 =	vsub.f32 v38, v62;
	v61 =	vor.u32 v21, v15;
	v15 =	vor.u32 v21, v20;
	(pc) =	sbr.rel @p0 .LBB2_2-.Ltmp0, $4  }
0x277: {  	v20 =	vlaneseq.u32;
	v60 =	vor.u32 v21, v11;
	v11 =	vor.u32 v21, v22  }
0x278: {  	[tilespmem:$0x1FD50] =	vst v1;
	v7 =	vsub.f32 v6, v3;
	v3 =	vor.u32 v21, v54;
	v54 =	vor.u32 v21, v9  }
0x279: {  	v9 =	vor.u32 v20, v8;
	v8 =	vor.u32 v20, v17;
	[tilespmem:$0x1FFE0] =	vst v3;
	v3 =	vor.u32 v21, v16  }
0x27a: {  	s12 =	sadd.s32 $0x200, s12;
	v16 =	vor.u32 v21, v13;
	v13 =	vor.u32 v21, v14;
	[tilespmem:$0x1FFF0] =	vst v3;
	v3 =	vor.u32 v20, v55  }
0x27b: {  	v2 =	vld [tilespmem:$0x1FDF0];
	_ =	sdelay $0x2  }
0x27c: {  	v1 =	vld [tilespmem:$0x1FBB0];
	_ =	sdelay $0x4  }
0x27d: {  	[tilespmem:v2+s7+$0x0] =	vst.idx.add.f32.msk vm15, v1  }
0x27e: {  	v2 =	vld [tilespmem:$0x1FE00];
	_ =	sdelay $0x2  }
0x27f: {  	v1 =	vld [tilespmem:$0x1FBD0];
	_ =	sdelay $0x4  }
0x280: {  	[tilespmem:v2+s7+$0x0] =	vst.idx.add.f32.msk vm0, v1  }
0x281: {  	v1 =	vld [tilespmem:$0x1FBF0];
	_ =	sdelay $0x4  }
0x282: {  	[tilespmem:v29+s7+$0x0] =	vst.idx.add.f32.msk vm14, v1  }
0x283: {  	v1 =	vld [tilespmem:$0x1FC10];
	_ =	sdelay $0x4  }
0x284: {  	[tilespmem:v30+s7+$0x0] =	vst.idx.add.f32.msk vm13, v1  }
0x285: {  	v1 =	vld [tilespmem:$0x1FC20];
	_ =	sdelay $0x4  }
0x286: {  	[tilespmem:v24+s7+$0x0] =	vst.idx.add.f32.msk vm12, v1  }
0x287: {  	v1 =	vld [tilespmem:$0x1FC30];
	_ =	sdelay $0x4  }
0x288: {  	[tilespmem:v25+s7+$0x0] =	vst.idx.add.f32.msk vm11, v1  }
0x289: {  	v2 =	vld [tilespmem:$0x1FE30];
	_ =	sdelay $0x2  }
0x28a: {  	v1 =	vld [tilespmem:$0x1FC40];
	_ =	sdelay $0x4  }
0x28b: {  	[tilespmem:v2+s7+$0x0] =	vst.idx.add.f32.msk vm10, v1  }
0x28c: {  	v2 =	vld [tilespmem:$0x1FE40];
	_ =	sdelay $0x2  }
0x28d: {  	v1 =	vld [tilespmem:$0x1FC50];
	_ =	sdelay $0x4  }
0x28e: {  	[tilespmem:v2+s7+$0x0] =	vst.idx.add.f32.msk vm9, v1  }
0x28f: {  	v2 =	vld [tilespmem:$0x1FE60];
	_ =	sdelay $0x2  }
0x290: {  	v1 =	vld [tilespmem:$0x1FC60];
	_ =	sdelay $0x4  }
0x291: {  	[tilespmem:v2+s7+$0x0] =	vst.idx.add.f32.msk vm8, v1  }
0x292: {  	v2 =	vld [tilespmem:$0x1FEB0];
	_ =	sdelay $0x2  }
0x293: {  	v1 =	vld [tilespmem:$0x1FC70];
	_ =	sdelay $0x4  }
0x294: {  	[tilespmem:v2+s7+$0x0] =	vst.idx.add.f32.msk vm7, v1  }
0x295: {  	v2 =	vld [tilespmem:$0x1FEF0];
	_ =	sdelay $0x2  }
0x296: {  	v1 =	vld [tilespmem:$0x1FC90];
	_ =	sdelay $0x4  }
0x297: {  	[tilespmem:v2+s7+$0x0] =	vst.idx.add.f32.msk vm6, v1  }
0x298: {  	v1 =	vld [tilespmem:$0x1FF20];
	_ =	sdelay $0x2  }
0x299: {  	v2 =	vld [tilespmem:$0x1FCB0];
	_ =	sdelay $0x4  }
0x29a: {  	[tilespmem:v1+s7+$0x0] =	vst.idx.add.f32.msk vm5, v2  }
0x29b: {  	v1 =	vld [tilespmem:$0x1FF60];
	_ =	sdelay $0x2  }
0x29c: {  	v2 =	vld [tilespmem:$0x1FCD0];
	_ =	sdelay $0x4  }
0x29d: {  	[tilespmem:v1+s7+$0x0] =	vst.idx.add.f32.msk vm4, v2  }
0x29e: {  	v1 =	vld [tilespmem:$0x1FD20];
	_ =	sdelay $0x4  }
0x29f: {  	vm10 =	vnez.u8 v1  }
0x2a0: {  	v1 =	vld [tilespmem:$0x1FD00];
	_ =	sdelay $0x4  }
0x2a1: {  	[tilespmem:v26+s7+$0x0] =	vst.idx.add.f32.msk vm10, v1  }
0x2a2: {  	v1 =	vld [tilespmem:$0x1FD50];
	_ =	sdelay $0x4  }
0x2a3: {  	vm12 =	vnez.u8 v1;
	v1 =	vld [tilespmem:$0x1FFB0];
	_ =	sdelay $0x2  }
0x2a4: {  	v2 =	vld [tilespmem:$0x1FD40];
	_ =	sdelay $0x4  }
0x2a5: {  	[tilespmem:v1+s7+$0x0] =	vst.idx.add.f32.msk vm12, v2  }
0x2a6: {  	v1 =	vld [tilespmem:$0x1FDB0];
	_ =	sdelay $0x4  }
0x2a7: {  	[tilespmem:v27+s7+$0x0] =	vst.idx.add.f32.msk vm1, v1  }
0x2a8: {  	v2 =	vld [tilespmem:$0x1FFD0];
	_ =	sdelay $0x1  }
0x2a9: {  	vm9 =	vgt.f32 v5, $5.000000000e-01  }
0x2aa: {  	v1 =	vld [tilespmem:$0x1FE90];
	_ =	sdelay $0x4  }
0x2ab: {  	[tilespmem:v2+s7+$0x0] =	vst.idx.add.f32.msk vm9, v1  }
0x2ac: {  	v2 =	vld [tilespmem:$0x1FFE0];
	_ =	sdelay $0x1  }
0x2ad: {  	vm2 =	vgt.f32 v63, $5.000000000e-01  }
0x2ae: {  	v1 =	vld [tilespmem:$0x1FEA0];
	_ =	sdelay $0x4  }
0x2af: {  	[tilespmem:v2+s7+$0x0] =	vst.idx.add.f32.msk vm2, v1  }
0x2b0: {  	v2 =	vld [tilespmem:$0x1FFF0];
	_ =	sdelay $0x1  }
0x2b1: {  	vm3 =	vgt.f32 v31, $5.000000000e-01  }
0x2b2: {  	v1 =	vld [tilespmem:$0x1FEC0];
	_ =	sdelay $0x4  }
0x2b3: {  	vm11 =	vgt.f32 v32, $5.000000000e-01;
	[tilespmem:v2+s7+$0x0] =	vst.idx.add.f32.msk vm3, v1  }
0x2b4: {  	v1 =	vld [tilespmem:$0x1FED0];
	_ =	sdelay $0x4  }
0x2b5: {  	vm13 =	vgt.f32 v35, $5.000000000e-01;
	[tilespmem:v61+s7+$0x0] =	vst.idx.add.f32.msk vm11, v1  }
0x2b6: {  	v1 =	vld [tilespmem:$0x1FF00];
	_ =	sdelay $0x4  }
0x2b7: {  	vm14 =	vgt.f32 v49, $5.000000000e-01;
	[tilespmem:v54+s7+$0x0] =	vst.idx.add.f32.msk vm13, v1  }
0x2b8: {  	v1 =	vld [tilespmem:$0x1FF10];
	_ =	sdelay $0x4  }
0x2b9: {  	vm15 =	vgt.f32 v50, $5.000000000e-01;
	[tilespmem:v28+s7+$0x0] =	vst.idx.add.f32.msk vm14, v1  }
0x2ba: {  	v1 =	vld [tilespmem:$0x1FF30];
	_ =	sdelay $0x4  }
0x2bb: {  	vm8 =	vgt.f32 v18, $5.000000000e-01;
	[tilespmem:v60+s7+$0x0] =	vst.idx.add.f32.msk vm15, v1  }
0x2bc: {  	v1 =	vld [tilespmem:$0x1FF50];
	_ =	sdelay $0x4  }
0x2bd: {  	vm9 =	vgt.f32 v4, $5.000000000e-01;
	[tilespmem:v16+s7+$0x0] =	vst.idx.add.f32.msk vm8, v1  }
0x2be: {  	v1 =	vld [tilespmem:$0x1FF70]  }
0x2bf: {  	vm11 =	vgt.f32 v19, $5.000000000e-01  }
0x2c0: {  	vm12 =	vgt.f32 v37, $5.000000000e-01  }
0x2c1: {  	vm13 =	vgt.f32 v12, $5.000000000e-01  }
0x2c2: {  	vm14 =	vgt.f32 v38, $5.000000000e-01  }
0x2c3: {  	vm15 =	vgt.f32 v6, $5.000000000e-01;
	[tilespmem:v15+s7+$0x0] =	vst.idx.add.f32.msk vm9, v1  }
0x2c4: {  	vm10 =	vgt.f32 v51, $5.000000000e-01;
	v1 =	vld [tilespmem:$0x1FF80]  }
0x2c5: {  	[tilespmem:v11+s7+$0x0] =	vst.idx.add.f32.msk vm11, v59  }
0x2c6: {  	[tilespmem:v10+s7+$0x0] =	vst.idx.add.f32.msk vm12, v56  }
0x2c7: {  	[tilespmem:v9+s7+$0x0] =	vst.idx.add.f32.msk vm13, v53  }
0x2c8: {  	s10 =	sadd.s32 $0x1, s10;
	[tilespmem:v8+s7+$0x0] =	vst.idx.add.f32.msk vm14, v52  }
0x2c9: {  	p0 =	sne.s32 s10, s5;
	[tilespmem:v3+s7+$0x0] =	vst.idx.add.f32.msk vm15, v7  }
.Ltmp1:
0x2ca: {  	[tilespmem:v13+s7+$0x0] =	vst.idx.add.f32.msk vm10, v1;
	(pc) =	sbr.rel @p0 .LBB2_1-.Ltmp1, $4  }
0x2cb: {  	[hbm4b:s4+s8] =	stream.strided.scatter [tilespmem:s7], [sflag:$0x1], $0x100, s9, s8, $0x38;
	[tilespmem:$0x8100] =	vst v63  }
0x2cc: {  	_ =	swait.ge [sflag:s6], $0x100  }
0x2cd: {  	[sflag:s6] =	ssyncset.done $0x0  }
0x2ce: {  	[sflag:s6] =	ssyncadd.s32 $0xFFFFFF00  }
0x2cf: {  	_ =	sfence.sel $0x180000  }
0x2d0: {  	[bflag:$0x0] =	sbarrier.arrive $0xFFFF  }
0x2d1: {  	p0 =	sne.s32 s1, $0x0;
	_ =	strace $0x90000047  }
0x2d2: {  	s0 =	sadd.s32 @!p0 $0x100000, s0;
	[bflag:$0x2] =	sbarrier.arrive $0xFFFF  }
0x2d3: {  	[sflag:s0] =	ssyncadd.tile.s32 @!p0 $0x1;
	_ =	shalt  }
.Lfunc_end2:
_tile_overlayer_lowered:
.L_overlay_start_2:
0x2d4: {  	(tag) =	ssettag $0x2  }
0x2d5: {  	s0 =	rddreg [dreg:$0x0];
	s2 =	stileid.u32  }
0x2d6: {  	s1 =	rddreg [dreg:$0x1];
	p0 =	sne.s32 s2, $0x0  }
0x2d7: {  	s3 =	rddreg [dreg:$0x2];
	[bflag:$0x3] =	sbarrier.arrive $0xFFFF;
	s2 =	simm.s32 @!p0 $0x1C01  }
0x2d8: {  	[timem:s3], [sflag:s2] =	dma.local @!p0 [hbm:s0], s1  }
0x2d9: {  	s0 =	simm.s32 @!p0 $0x1  }
0x2da: {  	_ =	swait.ge @!p0 [sflag:s0], s1  }
0x2db: {  	s1 =	ssub.s32 @!p0 $0x0, s1;
	[sflag:s0] =	ssyncset.done @!p0 $0x0  }
0x2dc: {  	[sflag:s0] =	ssyncadd.s32 @!p0 s1  }
0x2dd: {  	[bflag:$0x3] =	sbarrier.arrive $0xFFFF  }
0x2de: {  	_ =	shalt  }

</sc_bundles>
